<compile_context>
chip_gen: v7x
topology: tpu7x:2x2x1
jax: 0.10.2.dev20260603
libtpu: 0.0.44.dev20260713+nightly
codegen_flags: <defaults>
</compile_context>

<pallas_src>
import functools

import jax
import jax.numpy as jnp
from jax import lax
from jax.experimental import pallas as pl
from jax.experimental.pallas import tpu as pltpu
from jax.experimental.pallas import tpu_sc as plsc

_B = 128
_V = 100000
_NC = 2
_NS = 16
_NW = _NC * _NS
_L = 16
_NG = _B // _L

_KTC = 40000
_BKTC = 2000
_GTC = _KTC // _BKTC

_T0 = _KTC // 8
_NT = _V // 8
_WT = 235
_CHT = 47
_CHCLS = _CHT * 8
_NCH = _WT // _CHT
_IMAX = 2**31 - 1

_mesh = plsc.VectorSubcoreMesh(core_axis_name="c", subcore_axis_name="s")


@functools.partial(
    pl.kernel,
    out_type=(
        jax.ShapeDtypeStruct((_NW, _B), jnp.float32),
        jax.ShapeDtypeStruct((_NW, _B), jnp.int32),
    ),
    mesh=_mesh,
    compiler_params=pltpu.CompilerParams(needs_layout_passes=False),
    scratch_types=[
        pltpu.VMEM((_CHCLS, _B), jnp.float32),
        pltpu.VMEM((_CHCLS, _B), jnp.float32),
        pltpu.VMEM((_B,), jnp.float32),
        pltpu.VMEM((_B,), jnp.int32),
        pltpu.SemaphoreType.DMA,
        pltpu.SemaphoreType.DMA,
    ],
)
def _sc_argmax(predt_hbm, max_hbm, idx_hbm, buf0, buf1, vm_v, vi_v,
               sem0, sem1):
    wid = lax.axis_index("s") * _NC + lax.axis_index("c")
    start_tile = _T0 + (wid * (_NT - _T0 - _WT)) // (_NW - 1)
    cls0 = pl.multiple_of(start_tile * 8, 8)

    bufs = (buf0, buf1)
    sems = (sem0, sem1)

    def seg_slice(c):
        start = pl.multiple_of(cls0 + c * _CHCLS, 8)
        return predt_hbm.at[pl.ds(start, _CHCLS), :]

    def issue(c):
        pltpu.async_copy(seg_slice(c), bufs[c % 2], sems[c % 2])

    issue(0)
    best = [jnp.full((_L,), -jnp.inf, jnp.float32) for _ in range(_NG)]
    bcls = [jnp.zeros((_L,), jnp.int32) for _ in range(_NG)]
    for c in range(_NCH):
        if c + 1 < _NCH:
            issue(c + 1)
        pltpu.make_async_copy(seg_slice(c), bufs[c % 2], sems[c % 2]).wait()
        buf = bufs[c % 2]
        ccls0 = cls0 + c * _CHCLS

        def body(i, st, buf=buf, ccls0=ccls0):
            bb, bc = st
            clsv = jnp.full((_L,), ccls0 + i, jnp.int32)
            nb, nc2 = [], []
            for g in range(_NG):
                v = buf[i, pl.ds(g * _L, _L)]
                m = v > bb[g]
                nb.append(jnp.where(m, v, bb[g]))
                nc2.append(jnp.where(m, clsv, bc[g]))
            return nb, nc2

        best, bcls = plsc.parallel_loop(
            0, _CHCLS, unroll=2, carry=(best, bcls))(body)

    for g in range(_NG):
        vm_v[pl.ds(g * _L, _L)] = best[g]
        vi_v[pl.ds(g * _L, _L)] = bcls[g]
    pltpu.sync_copy(vm_v, max_hbm.at[wid])
    pltpu.sync_copy(vi_v, idx_hbm.at[wid])


def _tc_body(x_ref, m_ref, i_ref, am, ai, ab, iota_s):
    g = pl.program_id(0)

    @pl.when(g == 0)
    def _():
        am[...] = jnp.full((1, _B), -jnp.inf, jnp.float32)
        ai[...] = jnp.full((1, _B), _IMAX, jnp.int32)
        ab[...] = jnp.zeros((1, _B), jnp.int32)
        iota_s[...] = lax.broadcasted_iota(jnp.int32, (_BKTC, _B), 0)

    x = x_ref[...]
    bm = jnp.max(x, axis=0, keepdims=True)
    bi = jnp.min(jnp.where(x == bm, iota_s[...], _IMAX), axis=0,
                 keepdims=True)
    pm = am[...]
    new = bm > pm
    am[...] = jnp.where(new, bm, pm)
    ai[...] = jnp.where(new, bi, ai[...])
    ab[...] = jnp.where(new, jnp.full((1, _B), g, jnp.int32), ab[...])

    @pl.when(g == _GTC - 1)
    def _():
        m_ref[...] = am[...]
        i_ref[...] = ab[...] * _BKTC + ai[...]


_tc_argmax = pl.pallas_call(
    _tc_body,
    grid=(_GTC,),
    in_specs=[pl.BlockSpec((_BKTC, _B), lambda g: (g, 0))],
    out_specs=(
        pl.BlockSpec((1, _B), lambda g: (0, 0)),
        pl.BlockSpec((1, _B), lambda g: (0, 0)),
    ),
    out_shape=(
        jax.ShapeDtypeStruct((1, _B), jnp.float32),
        jax.ShapeDtypeStruct((1, _B), jnp.int32),
    ),
    scratch_shapes=[
        pltpu.VMEM((1, _B), jnp.float32),
        pltpu.VMEM((1, _B), jnp.int32),
        pltpu.VMEM((1, _B), jnp.int32),
        pltpu.VMEM((_BKTC, _B), jnp.int32),
    ],
)


def _merge_body(scm_ref, sci_ref, tcm_ref, tci_ref, tgt_ref, out_ref):
    m = scm_ref[...]
    i = sci_ref[...]
    tm = tcm_ref[...]
    ti = tci_ref[...]
    t = tgt_ref[...]
    rm = jnp.maximum(jnp.max(m, axis=0), tm[0])
    wi_sc = jnp.min(jnp.where(m == rm[None, :], i, _IMAX), axis=0)
    wi_tc = jnp.where(tm[0] == rm, ti[0], _IMAX)
    wi = jnp.minimum(wi_sc, wi_tc)
    cnt = jnp.sum(jnp.where(wi == t, 1.0, 0.0).astype(jnp.float32))
    out_ref[0] = cnt * (100.0 / _B)


_merge = pl.pallas_call(
    _merge_body,
    out_shape=jax.ShapeDtypeStruct((1,), jnp.float32),
    out_specs=pl.BlockSpec(memory_space=pltpu.SMEM),
)


def kernel(pred, target):
    predt = pred.T
    sc_m, sc_i = _sc_argmax(predt)
    tc_m, tc_i = _tc_argmax(predt)
    res = _merge(sc_m, sc_i, tc_m, tc_i, target)
    return (res,)

# --- scband reference (transcript-rebuilt; emitter-appended) ---
"""Pipeline reference for scband-accuracy-1864015807121 (READ-ONLY COPY).

The authoritative reference and input builder live on the scoring server;
editing this copy changes nothing except your own understanding.
"""

import jax, jax.numpy as jnp
import numpy as np


def setup_inputs(seed: int = 0) -> dict:
    key = jax.random.key(seed)
    k1, k2 = jax.random.split(key)
    pred = jax.random.normal(k1, (128, 100000), dtype=jnp.float32)
    target = jax.random.randint(k2, (128,), 0, 100000, dtype=jnp.int64 if jax.config.jax_enable_x64 else jnp.int32).astype(jnp.int32)
    return {"pred": pred, "target": target}


def reference(pred, target):
    # Accuracy module with default topk=(1,), thrs=0.0
    topk = (1,)
    maxk = max(topk)
    pred_score, pred_label = jax.lax.top_k(pred, maxk)  # [B, maxk]
    pred_label_t = pred_label.T  # [maxk, B]
    correct = pred_label_t == target.reshape(1, -1).astype(pred_label_t.dtype)  # [maxk, B]
    res = []
    for k in topk:
        correct_k = correct[:k].reshape(-1).astype(jnp.float32).sum(keepdims=True)
        res.append(correct_k * (100.0 / pred.shape[0]))
    return tuple(res)

if __name__ == "__main__":
    import jax
    _d = setup_inputs()
    print(jax.jit(kernel)(*tuple(_d.values())))

</pallas_src>

<mosaic_0001>
#map = affine_map<(d0, d1) -> (0, 0)>
module attributes {stable_mosaic.version = 14 : i64} {
  func.func @_sc_argmax(%arg0: i32, %arg1: i32, %arg2: memref<100000x128xf32, #tpu.memory_space<hbm>>, %arg3: memref<32x128xf32, #tpu.memory_space<hbm>>, %arg4: memref<32x128xi32, #tpu.memory_space<hbm>>, %arg5: memref<376x128xf32, #tpu.memory_space<vmem>>, %arg6: memref<376x128xf32, #tpu.memory_space<vmem>>, %arg7: memref<128xf32, #tpu.memory_space<vmem>>, %arg8: memref<128xi32, #tpu.memory_space<vmem>>, %arg9: memref<!tpu.dma_semaphore, #tpu.memory_space<semaphore_mem>>, %arg10: memref<!tpu.dma_semaphore, #tpu.memory_space<semaphore_mem>>) attributes {dimension_semantics = [#tpu.dimension_semantics<core_parallel>, #tpu.dimension_semantics<subcore_parallel>], iteration_bounds = array<i64: 2, 16>, scalar_prefetch = 0 : i64, scratch_operands = 6 : i64, tpu.core_type = #tpu.core_type<sc_vector_subcore>, window_params = [{transform_indices = #map}, {transform_indices = #map}, {transform_indices = #map}]} {
    %mul3A = arith.constant 2 : i32
    %mul3A_0 = arith.muli %arg1, %mul3A : i32
    %add3A = arith.addi %mul3A_0, %arg0 : i32
    %mul3A_1 = arith.constant 7265 : i32
    %mul3A_2 = arith.muli %add3A, %mul3A_1 : i32
    %jit3A = arith.constant 31 : i32
    %div3A = arith.divsi %mul3A_2, %jit3A : i32
    %sign3A = arith.constant 0 : i32
    %sign3A_3 = arith.cmpi sgt, %mul3A_2, %sign3A : i32
    %sign3A_4 = arith.extui %sign3A_3 : i1 to i32
    %sign3A_5 = arith.constant 0 : i32
    %sign3A_6 = arith.cmpi slt, %mul3A_2, %sign3A_5 : i32
    %sign3A_7 = arith.extui %sign3A_6 : i1 to i32
    %sign3A_8 = arith.subi %sign3A_4, %sign3A_7 : i32
    %sign3A_9 = arith.constant 0 : i32
    %sign3A_10 = arith.cmpi sgt, %jit3A, %sign3A_9 : i32
    %sign3A_11 = arith.extui %sign3A_10 : i1 to i32
    %sign3A_12 = arith.constant 0 : i32
    %sign3A_13 = arith.cmpi slt, %jit3A, %sign3A_12 : i32
    %sign3A_14 = arith.extui %sign3A_13 : i1 to i32
    %sign3A_15 = arith.subi %sign3A_11, %sign3A_14 : i32
    %ne3A = arith.cmpi ne, %sign3A_8, %sign3A_15 : i32
    %rem3A = arith.remsi %mul3A_2, %jit3A : i32
    %ne3A_16 = arith.constant 0 : i32
    %ne3A_17 = arith.cmpi ne, %rem3A, %ne3A_16 : i32
    %and3A = arith.andi %ne3A, %ne3A_17 : i1
    %sub3A = arith.constant 1 : i32
    %sub3A_18 = arith.subi %div3A, %sub3A : i32
    %select_n3A = arith.select %and3A, %sub3A_18, %div3A : i32
    %add3A_19 = arith.constant 5000 : i32
    %add3A_20 = arith.addi %add3A_19, %select_n3A : i32
    %mul3A_21 = arith.constant 8 : i32
    %mul3A_22 = arith.muli %add3A_20, %mul3A_21 : i32
    %multiple_of3A = tpu.assume_multiple %mul3A_22, 8 : i32
    %add3A_23 = arith.constant 0 : i32
    %add3A_24 = arith.addi %multiple_of3A, %add3A_23 : i32
    %multiple_of3A_25 = tpu.assume_multiple %add3A_24, 8 : i32
    %dma_start3A = arith.constant 0 : i32
    %dma_start3A_26 = tpu.memref_slice %arg2[%multiple_of3A_25, %dma_start3A] : memref<100000x128xf32, #tpu.memory_space<hbm>> -> memref<376x128xf32, #tpu.memory_space<hbm>>
    %dma_start3A_27 = arith.constant 0 : i32
    %dma_start3A_28 = tpu.memref_slice %arg2[%multiple_of3A_25, %dma_start3A_27] : memref<100000x128xf32, #tpu.memory_space<hbm>> -> memref<376x128xf32, #tpu.memory_space<hbm>>
    tpu.enqueue_dma source(%dma_start3A_28 : memref<376x128xf32, #tpu.memory_space<hbm>>) target(%arg5 : memref<376x128xf32, #tpu.memory_space<vmem>>) target_semaphore(%arg9 : memref<!tpu.dma_semaphore, #tpu.memory_space<semaphore_mem>>)
    %broadcast_in_dim3A = arith.constant 0xFF800000 : f32
    %broadcast_in_dim3A_29 = vector.broadcast %broadcast_in_dim3A : f32 to vector<16xf32>
    %broadcast_in_dim3A_30 = arith.constant 0xFF800000 : f32
    %broadcast_in_dim3A_31 = vector.broadcast %broadcast_in_dim3A_30 : f32 to vector<16xf32>
    %broadcast_in_dim3A_32 = arith.constant 0xFF800000 : f32
    %broadcast_in_dim3A_33 = vector.broadcast %broadcast_in_dim3A_32 : f32 to vector<16xf32>
    %broadcast_in_dim3A_34 = arith.constant 0xFF800000 : f32
    %broadcast_in_dim3A_35 = vector.broadcast %broadcast_in_dim3A_34 : f32 to vector<16xf32>
    %broadcast_in_dim3A_36 = arith.constant 0xFF800000 : f32
    %broadcast_in_dim3A_37 = vector.broadcast %broadcast_in_dim3A_36 : f32 to vector<16xf32>
    %broadcast_in_dim3A_38 = arith.constant 0xFF800000 : f32
    %broadcast_in_dim3A_39 = vector.broadcast %broadcast_in_dim3A_38 : f32 to vector<16xf32>
    %broadcast_in_dim3A_40 = arith.constant 0xFF800000 : f32
    %broadcast_in_dim3A_41 = vector.broadcast %broadcast_in_dim3A_40 : f32 to vector<16xf32>
    %broadcast_in_dim3A_42 = arith.constant 0xFF800000 : f32
    %broadcast_in_dim3A_43 = vector.broadcast %broadcast_in_dim3A_42 : f32 to vector<16xf32>
    %broadcast_in_dim3A_44 = arith.constant 0 : i32
    %broadcast_in_dim3A_45 = vector.broadcast %broadcast_in_dim3A_44 : i32 to vector<16xi32>
    %broadcast_in_dim3A_46 = arith.constant 0 : i32
    %broadcast_in_dim3A_47 = vector.broadcast %broadcast_in_dim3A_46 : i32 to vector<16xi32>
    %broadcast_in_dim3A_48 = arith.constant 0 : i32
    %broadcast_in_dim3A_49 = vector.broadcast %broadcast_in_dim3A_48 : i32 to vector<16xi32>
    %broadcast_in_dim3A_50 = arith.constant 0 : i32
    %broadcast_in_dim3A_51 = vector.broadcast %broadcast_in_dim3A_50 : i32 to vector<16xi32>
    %broadcast_in_dim3A_52 = arith.constant 0 : i32
    %broadcast_in_dim3A_53 = vector.broadcast %broadcast_in_dim3A_52 : i32 to vector<16xi32>
    %broadcast_in_dim3A_54 = arith.constant 0 : i32
    %broadcast_in_dim3A_55 = vector.broadcast %broadcast_in_dim3A_54 : i32 to vector<16xi32>
    %broadcast_in_dim3A_56 = arith.constant 0 : i32
    %broadcast_in_dim3A_57 = vector.broadcast %broadcast_in_dim3A_56 : i32 to vector<16xi32>
    %broadcast_in_dim3A_58 = arith.constant 0 : i32
    %broadcast_in_dim3A_59 = vector.broadcast %broadcast_in_dim3A_58 : i32 to vector<16xi32>
    %add3A_60 = arith.constant 376 : i32
    %add3A_61 = arith.addi %multiple_of3A, %add3A_60 : i32
    %multiple_of3A_62 = tpu.assume_multiple %add3A_61, 8 : i32
    %dma_start3A_63 = arith.constant 0 : i32
    %dma_start3A_64 = tpu.memref_slice %arg2[%multiple_of3A_62, %dma_start3A_63] : memref<100000x128xf32, #tpu.memory_space<hbm>> -> memref<376x128xf32, #tpu.memory_space<hbm>>
    %dma_start3A_65 = arith.constant 0 : i32
    %dma_start3A_66 = tpu.memref_slice %arg2[%multiple_of3A_62, %dma_start3A_65] : memref<100000x128xf32, #tpu.memory_space<hbm>> -> memref<376x128xf32, #tpu.memory_space<hbm>>
    tpu.enqueue_dma source(%dma_start3A_66 : memref<376x128xf32, #tpu.memory_space<hbm>>) target(%arg6 : memref<376x128xf32, #tpu.memory_space<vmem>>) target_semaphore(%arg10 : memref<!tpu.dma_semaphore, #tpu.memory_space<semaphore_mem>>)
    %add3A_67 = arith.constant 0 : i32
    %add3A_68 = arith.addi %multiple_of3A, %add3A_67 : i32
    %multiple_of3A_69 = tpu.assume_multiple %add3A_68, 8 : i32
    %dma_wait3A = arith.constant 0 : i32
    %dma_wait3A_70 = tpu.memref_slice %arg2[%multiple_of3A_69, %dma_wait3A] : memref<100000x128xf32, #tpu.memory_space<hbm>> -> memref<376x128xf32, #tpu.memory_space<hbm>>
    %dma_wait3A_71 = arith.constant 0 : i32
    %dma_wait3A_72 = tpu.memref_slice %arg2[%multiple_of3A_69, %dma_wait3A_71] : memref<100000x128xf32, #tpu.memory_space<hbm>> -> memref<376x128xf32, #tpu.memory_space<hbm>>
    tpu.wait_dma2 semaphore(%arg9 : memref<!tpu.dma_semaphore, #tpu.memory_space<semaphore_mem>>) src(%dma_wait3A_72 : memref<376x128xf32, #tpu.memory_space<hbm>>) dst(%arg5 : memref<376x128xf32, #tpu.memory_space<vmem>>)
    %add3A_73 = arith.constant 0 : i32
    %add3A_74 = arith.addi %multiple_of3A, %add3A_73 : i32
    %parallel_loop3A = arith.constant 0 : i32
    %parallel_loop3A_75 = arith.constant 376 : i32
    %parallel_loop3A_76 = arith.constant 1 : i32
    %parallel_loop3A_77:16 = scf.for %parallel_loop3A_182 = %parallel_loop3A to %parallel_loop3A_75 step %parallel_loop3A_76 iter_args(%parallel_loop3A_183 = %broadcast_in_dim3A_29, %parallel_loop3A_184 = %broadcast_in_dim3A_31, %parallel_loop3A_185 = %broadcast_in_dim3A_33, %parallel_loop3A_186 = %broadcast_in_dim3A_35, %parallel_loop3A_187 = %broadcast_in_dim3A_37, %parallel_loop3A_188 = %broadcast_in_dim3A_39, %parallel_loop3A_189 = %broadcast_in_dim3A_41, %parallel_loop3A_190 = %broadcast_in_dim3A_43, %parallel_loop3A_191 = %broadcast_in_dim3A_45, %parallel_loop3A_192 = %broadcast_in_dim3A_47, %parallel_loop3A_193 = %broadcast_in_dim3A_49, %parallel_loop3A_194 = %broadcast_in_dim3A_51, %parallel_loop3A_195 = %broadcast_in_dim3A_53, %parallel_loop3A_196 = %broadcast_in_dim3A_55, %parallel_loop3A_197 = %broadcast_in_dim3A_57, %parallel_loop3A_198 = %broadcast_in_dim3A_59) -> (vector<16xf32>, vector<16xf32>, vector<16xf32>, vector<16xf32>, vector<16xf32>, vector<16xf32>, vector<16xf32>, vector<16xf32>, vector<16xi32>, vector<16xi32>, vector<16xi32>, vector<16xi32>, vector<16xi32>, vector<16xi32>, vector<16xi32>, vector<16xi32>)  : i32 {
      %parallel_loop3A_199 = arith.addi %add3A_74, %parallel_loop3A_182 : i32
      %parallel_loop3A_200 = vector.broadcast %parallel_loop3A_199 : i32 to vector<16xi32>
      %parallel_loop3A_201 = arith.index_cast %parallel_loop3A_182 : i32 to index
      %parallel_loop3A_202 = arith.constant 0 : index
      %parallel_loop3A_203 = tpu.vector_load %arg5[%parallel_loop3A_201, %parallel_loop3A_202] {strides = array<i32>} : memref<376x128xf32, #tpu.memory_space<vmem>>, vector<16xf32>,
      %parallel_loop3A_204 = arith.cmpf ogt, %parallel_loop3A_203, %parallel_loop3A_183 : vector<16xf32>
      %parallel_loop3A_205 = arith.select %parallel_loop3A_204, %parallel_loop3A_203, %parallel_loop3A_183 : vector<16xi1>, vector<16xf32>
      %parallel_loop3A_206 = arith.select %parallel_loop3A_204, %parallel_loop3A_200, %parallel_loop3A_191 : vector<16xi1>, vector<16xi32>
      %parallel_loop3A_207 = arith.index_cast %parallel_loop3A_182 : i32 to index
      %parallel_loop3A_208 = arith.constant 16 : index
      %parallel_loop3A_209 = tpu.vector_load %arg5[%parallel_loop3A_207, %parallel_loop3A_208] {strides = array<i32>} : memref<376x128xf32, #tpu.memory_space<vmem>>, vector<16xf32>,
      %parallel_loop3A_210 = arith.cmpf ogt, %parallel_loop3A_209, %parallel_loop3A_184 : vector<16xf32>
      %parallel_loop3A_211 = arith.select %parallel_loop3A_210, %parallel_loop3A_209, %parallel_loop3A_184 : vector<16xi1>, vector<16xf32>
      %parallel_loop3A_212 = arith.select %parallel_loop3A_210, %parallel_loop3A_200, %parallel_loop3A_192 : vector<16xi1>, vector<16xi32>
      %parallel_loop3A_213 = arith.index_cast %parallel_loop3A_182 : i32 to index
      %parallel_loop3A_214 = arith.constant 32 : index
      %parallel_loop3A_215 = tpu.vector_load %arg5[%parallel_loop3A_213, %parallel_loop3A_214] {strides = array<i32>} : memref<376x128xf32, #tpu.memory_space<vmem>>, vector<16xf32>,
      %parallel_loop3A_216 = arith.cmpf ogt, %parallel_loop3A_215, %parallel_loop3A_185 : vector<16xf32>
      %parallel_loop3A_217 = arith.select %parallel_loop3A_216, %parallel_loop3A_215, %parallel_loop3A_185 : vector<16xi1>, vector<16xf32>
      %parallel_loop3A_218 = arith.select %parallel_loop3A_216, %parallel_loop3A_200, %parallel_loop3A_193 : vector<16xi1>, vector<16xi32>
      %parallel_loop3A_219 = arith.index_cast %parallel_loop3A_182 : i32 to index
      %parallel_loop3A_220 = arith.constant 48 : index
      %parallel_loop3A_221 = tpu.vector_load %arg5[%parallel_loop3A_219, %parallel_loop3A_220] {strides = array<i32>} : memref<376x128xf32, #tpu.memory_space<vmem>>, vector<16xf32>,
      %parallel_loop3A_222 = arith.cmpf ogt, %parallel_loop3A_221, %parallel_loop3A_186 : vector<16xf32>
      %parallel_loop3A_223 = arith.select %parallel_loop3A_222, %parallel_loop3A_221, %parallel_loop3A_186 : vector<16xi1>, vector<16xf32>
      %parallel_loop3A_224 = arith.select %parallel_loop3A_222, %parallel_loop3A_200, %parallel_loop3A_194 : vector<16xi1>, vector<16xi32>
      %parallel_loop3A_225 = arith.index_cast %parallel_loop3A_182 : i32 to index
      %parallel_loop3A_226 = arith.constant 64 : index
      %parallel_loop3A_227 = tpu.vector_load %arg5[%parallel_loop3A_225, %parallel_loop3A_226] {strides = array<i32>} : memref<376x128xf32, #tpu.memory_space<vmem>>, vector<16xf32>,
      %parallel_loop3A_228 = arith.cmpf ogt, %parallel_loop3A_227, %parallel_loop3A_187 : vector<16xf32>
      %parallel_loop3A_229 = arith.select %parallel_loop3A_228, %parallel_loop3A_227, %parallel_loop3A_187 : vector<16xi1>, vector<16xf32>
      %parallel_loop3A_230 = arith.select %parallel_loop3A_228, %parallel_loop3A_200, %parallel_loop3A_195 : vector<16xi1>, vector<16xi32>
      %parallel_loop3A_231 = arith.index_cast %parallel_loop3A_182 : i32 to index
      %parallel_loop3A_232 = arith.constant 80 : index
      %parallel_loop3A_233 = tpu.vector_load %arg5[%parallel_loop3A_231, %parallel_loop3A_232] {strides = array<i32>} : memref<376x128xf32, #tpu.memory_space<vmem>>, vector<16xf32>,
      %parallel_loop3A_234 = arith.cmpf ogt, %parallel_loop3A_233, %parallel_loop3A_188 : vector<16xf32>
      %parallel_loop3A_235 = arith.select %parallel_loop3A_234, %parallel_loop3A_233, %parallel_loop3A_188 : vector<16xi1>, vector<16xf32>
      %parallel_loop3A_236 = arith.select %parallel_loop3A_234, %parallel_loop3A_200, %parallel_loop3A_196 : vector<16xi1>, vector<16xi32>
      %parallel_loop3A_237 = arith.index_cast %parallel_loop3A_182 : i32 to index
      %parallel_loop3A_238 = arith.constant 96 : index
      %parallel_loop3A_239 = tpu.vector_load %arg5[%parallel_loop3A_237, %parallel_loop3A_238] {strides = array<i32>} : memref<376x128xf32, #tpu.memory_space<vmem>>, vector<16xf32>,
      %parallel_loop3A_240 = arith.cmpf ogt, %parallel_loop3A_239, %parallel_loop3A_189 : vector<16xf32>
      %parallel_loop3A_241 = arith.select %parallel_loop3A_240, %parallel_loop3A_239, %parallel_loop3A_189 : vector<16xi1>, vector<16xf32>
      %parallel_loop3A_242 = arith.select %parallel_loop3A_240, %parallel_loop3A_200, %parallel_loop3A_197 : vector<16xi1>, vector<16xi32>
      %parallel_loop3A_243 = arith.index_cast %parallel_loop3A_182 : i32 to index
      %parallel_loop3A_244 = arith.constant 112 : index
      %parallel_loop3A_245 = tpu.vector_load %arg5[%parallel_loop3A_243, %parallel_loop3A_244] {strides = array<i32>} : memref<376x128xf32, #tpu.memory_space<vmem>>, vector<16xf32>,
      %parallel_loop3A_246 = arith.cmpf ogt, %parallel_loop3A_245, %parallel_loop3A_190 : vector<16xf32>
      %parallel_loop3A_247 = arith.select %parallel_loop3A_246, %parallel_loop3A_245, %parallel_loop3A_190 : vector<16xi1>, vector<16xf32>
      %parallel_loop3A_248 = arith.select %parallel_loop3A_246, %parallel_loop3A_200, %parallel_loop3A_198 : vector<16xi1>, vector<16xi32>
      scf.yield %parallel_loop3A_205, %parallel_loop3A_211, %parallel_loop3A_217, %parallel_loop3A_223, %parallel_loop3A_229, %parallel_loop3A_235, %parallel_loop3A_241, %parallel_loop3A_247, %parallel_loop3A_206, %parallel_loop3A_212, %parallel_loop3A_218, %parallel_loop3A_224, %parallel_loop3A_230, %parallel_loop3A_236, %parallel_loop3A_242, %parallel_loop3A_248 : vector<16xf32>, vector<16xf32>, vector<16xf32>, vector<16xf32>, vector<16xf32>, vector<16xf32>, vector<16xf32>, vector<16xf32>, vector<16xi32>, vector<16xi32>, vector<16xi32>, vector<16xi32>, vector<16xi32>, vector<16xi32>, vector<16xi32>, vector<16xi32>
    } {sc.loop_unroll_factor = 2 : i64, sc.parallel_access}
    %add3A_78 = arith.constant 752 : i32
    %add3A_79 = arith.addi %multiple_of3A, %add3A_78 : i32
    %multiple_of3A_80 = tpu.assume_multiple %add3A_79, 8 : i32
    %dma_start3A_81 = arith.constant 0 : i32
    %dma_start3A_82 = tpu.memref_slice %arg2[%multiple_of3A_80, %dma_start3A_81] : memref<100000x128xf32, #tpu.memory_space<hbm>> -> memref<376x128xf32, #tpu.memory_space<hbm>>
    %dma_start3A_83 = arith.constant 0 : i32
    %dma_start3A_84 = tpu.memref_slice %arg2[%multiple_of3A_80, %dma_start3A_83] : memref<100000x128xf32, #tpu.memory_space<hbm>> -> memref<376x128xf32, #tpu.memory_space<hbm>>
    tpu.enqueue_dma source(%dma_start3A_84 : memref<376x128xf32, #tpu.memory_space<hbm>>) target(%arg5 : memref<376x128xf32, #tpu.memory_space<vmem>>) target_semaphore(%arg9 : memref<!tpu.dma_semaphore, #tpu.memory_space<semaphore_mem>>)
    %add3A_85 = arith.constant 376 : i32
    %add3A_86 = arith.addi %multiple_of3A, %add3A_85 : i32
    %multiple_of3A_87 = tpu.assume_multiple %add3A_86, 8 : i32
    %dma_wait3A_88 = arith.constant 0 : i32
    %dma_wait3A_89 = tpu.memref_slice %arg2[%multiple_of3A_87, %dma_wait3A_88] : memref<100000x128xf32, #tpu.memory_space<hbm>> -> memref<376x128xf32, #tpu.memory_space<hbm>>
    %dma_wait3A_90 = arith.constant 0 : i32
    %dma_wait3A_91 = tpu.memref_slice %arg2[%multiple_of3A_87, %dma_wait3A_90] : memref<100000x128xf32, #tpu.memory_space<hbm>> -> memref<376x128xf32, #tpu.memory_space<hbm>>
    tpu.wait_dma2 semaphore(%arg10 : memref<!tpu.dma_semaphore, #tpu.memory_space<semaphore_mem>>) src(%dma_wait3A_91 : memref<376x128xf32, #tpu.memory_space<hbm>>) dst(%arg6 : memref<376x128xf32, #tpu.memory_space<vmem>>)
    %add3A_92 = arith.constant 376 : i32
    %add3A_93 = arith.addi %multiple_of3A, %add3A_92 : i32
    %parallel_loop3A_94 = arith.constant 0 : i32
    %parallel_loop3A_95 = arith.constant 376 : i32
    %parallel_loop3A_96 = arith.constant 1 : i32
    %parallel_loop3A_97:16 = scf.for %parallel_loop3A_182 = %parallel_loop3A_94 to %parallel_loop3A_95 step %parallel_loop3A_96 iter_args(%parallel_loop3A_183 = %parallel_loop3A_77#0, %parallel_loop3A_184 = %parallel_loop3A_77#1, %parallel_loop3A_185 = %parallel_loop3A_77#2, %parallel_loop3A_186 = %parallel_loop3A_77#3, %parallel_loop3A_187 = %parallel_loop3A_77#4, %parallel_loop3A_188 = %parallel_loop3A_77#5, %parallel_loop3A_189 = %parallel_loop3A_77#6, %parallel_loop3A_190 = %parallel_loop3A_77#7, %parallel_loop3A_191 = %parallel_loop3A_77#8, %parallel_loop3A_192 = %parallel_loop3A_77#9, %parallel_loop3A_193 = %parallel_loop3A_77#10, %parallel_loop3A_194 = %parallel_loop3A_77#11, %parallel_loop3A_195 = %parallel_loop3A_77#12, %parallel_loop3A_196 = %parallel_loop3A_77#13, %parallel_loop3A_197 = %parallel_loop3A_77#14, %parallel_loop3A_198 = %parallel_loop3A_77#15) -> (vector<16xf32>, vector<16xf32>, vector<16xf32>, vector<16xf32>, vector<16xf32>, vector<16xf32>, vector<16xf32>, vector<16xf32>, vector<16xi32>, vector<16xi32>, vector<16xi32>, vector<16xi32>, vector<16xi32>, vector<16xi32>, vector<16xi32>, vector<16xi32>)  : i32 {
      %parallel_loop3A_199 = arith.addi %add3A_93, %parallel_loop3A_182 : i32
      %parallel_loop3A_200 = vector.broadcast %parallel_loop3A_199 : i32 to vector<16xi32>
      %parallel_loop3A_201 = arith.index_cast %parallel_loop3A_182 : i32 to index
      %parallel_loop3A_202 = arith.constant 0 : index
      %parallel_loop3A_203 = tpu.vector_load %arg6[%parallel_loop3A_201, %parallel_loop3A_202] {strides = array<i32>} : memref<376x128xf32, #tpu.memory_space<vmem>>, vector<16xf32>,
      %parallel_loop3A_204 = arith.cmpf ogt, %parallel_loop3A_203, %parallel_loop3A_183 : vector<16xf32>
      %parallel_loop3A_205 = arith.select %parallel_loop3A_204, %parallel_loop3A_203, %parallel_loop3A_183 : vector<16xi1>, vector<16xf32>
      %parallel_loop3A_206 = arith.select %parallel_loop3A_204, %parallel_loop3A_200, %parallel_loop3A_191 : vector<16xi1>, vector<16xi32>
      %parallel_loop3A_207 = arith.index_cast %parallel_loop3A_182 : i32 to index
      %parallel_loop3A_208 = arith.constant 16 : index
      %parallel_loop3A_209 = tpu.vector_load %arg6[%parallel_loop3A_207, %parallel_loop3A_208] {strides = array<i32>} : memref<376x128xf32, #tpu.memory_space<vmem>>, vector<16xf32>,
      %parallel_loop3A_210 = arith.cmpf ogt, %parallel_loop3A_209, %parallel_loop3A_184 : vector<16xf32>
      %parallel_loop3A_211 = arith.select %parallel_loop3A_210, %parallel_loop3A_209, %parallel_loop3A_184 : vector<16xi1>, vector<16xf32>
      %parallel_loop3A_212 = arith.select %parallel_loop3A_210, %parallel_loop3A_200, %parallel_loop3A_192 : vector<16xi1>, vector<16xi32>
      %parallel_loop3A_213 = arith.index_cast %parallel_loop3A_182 : i32 to index
      %parallel_loop3A_214 = arith.constant 32 : index
      %parallel_loop3A_215 = tpu.vector_load %arg6[%parallel_loop3A_213, %parallel_loop3A_214] {strides = array<i32>} : memref<376x128xf32, #tpu.memory_space<vmem>>, vector<16xf32>,
      %parallel_loop3A_216 = arith.cmpf ogt, %parallel_loop3A_215, %parallel_loop3A_185 : vector<16xf32>
      %parallel_loop3A_217 = arith.select %parallel_loop3A_216, %parallel_loop3A_215, %parallel_loop3A_185 : vector<16xi1>, vector<16xf32>
      %parallel_loop3A_218 = arith.select %parallel_loop3A_216, %parallel_loop3A_200, %parallel_loop3A_193 : vector<16xi1>, vector<16xi32>
      %parallel_loop3A_219 = arith.index_cast %parallel_loop3A_182 : i32 to index
      %parallel_loop3A_220 = arith.constant 48 : index
      %parallel_loop3A_221 = tpu.vector_load %arg6[%parallel_loop3A_219, %parallel_loop3A_220] {strides = array<i32>} : memref<376x128xf32, #tpu.memory_space<vmem>>, vector<16xf32>,
      %parallel_loop3A_222 = arith.cmpf ogt, %parallel_loop3A_221, %parallel_loop3A_186 : vector<16xf32>
      %parallel_loop3A_223 = arith.select %parallel_loop3A_222, %parallel_loop3A_221, %parallel_loop3A_186 : vector<16xi1>, vector<16xf32>
      %parallel_loop3A_224 = arith.select %parallel_loop3A_222, %parallel_loop3A_200, %parallel_loop3A_194 : vector<16xi1>, vector<16xi32>
      %parallel_loop3A_225 = arith.index_cast %parallel_loop3A_182 : i32 to index
      %parallel_loop3A_226 = arith.constant 64 : index
      %parallel_loop3A_227 = tpu.vector_load %arg6[%parallel_loop3A_225, %parallel_loop3A_226] {strides = array<i32>} : memref<376x128xf32, #tpu.memory_space<vmem>>, vector<16xf32>,
      %parallel_loop3A_228 = arith.cmpf ogt, %parallel_loop3A_227, %parallel_loop3A_187 : vector<16xf32>
      %parallel_loop3A_229 = arith.select %parallel_loop3A_228, %parallel_loop3A_227, %parallel_loop3A_187 : vector<16xi1>, vector<16xf32>
      %parallel_loop3A_230 = arith.select %parallel_loop3A_228, %parallel_loop3A_200, %parallel_loop3A_195 : vector<16xi1>, vector<16xi32>
      %parallel_loop3A_231 = arith.index_cast %parallel_loop3A_182 : i32 to index
      %parallel_loop3A_232 = arith.constant 80 : index
      %parallel_loop3A_233 = tpu.vector_load %arg6[%parallel_loop3A_231, %parallel_loop3A_232] {strides = array<i32>} : memref<376x128xf32, #tpu.memory_space<vmem>>, vector<16xf32>,
      %parallel_loop3A_234 = arith.cmpf ogt, %parallel_loop3A_233, %parallel_loop3A_188 : vector<16xf32>
      %parallel_loop3A_235 = arith.select %parallel_loop3A_234, %parallel_loop3A_233, %parallel_loop3A_188 : vector<16xi1>, vector<16xf32>
      %parallel_loop3A_236 = arith.select %parallel_loop3A_234, %parallel_loop3A_200, %parallel_loop3A_196 : vector<16xi1>, vector<16xi32>
      %parallel_loop3A_237 = arith.index_cast %parallel_loop3A_182 : i32 to index
      %parallel_loop3A_238 = arith.constant 96 : index
      %parallel_loop3A_239 = tpu.vector_load %arg6[%parallel_loop3A_237, %parallel_loop3A_238] {strides = array<i32>} : memref<376x128xf32, #tpu.memory_space<vmem>>, vector<16xf32>,
      %parallel_loop3A_240 = arith.cmpf ogt, %parallel_loop3A_239, %parallel_loop3A_189 : vector<16xf32>
      %parallel_loop3A_241 = arith.select %parallel_loop3A_240, %parallel_loop3A_239, %parallel_loop3A_189 : vector<16xi1>, vector<16xf32>
      %parallel_loop3A_242 = arith.select %parallel_loop3A_240, %parallel_loop3A_200, %parallel_loop3A_197 : vector<16xi1>, vector<16xi32>
      %parallel_loop3A_243 = arith.index_cast %parallel_loop3A_182 : i32 to index
      %parallel_loop3A_244 = arith.constant 112 : index
      %parallel_loop3A_245 = tpu.vector_load %arg6[%parallel_loop3A_243, %parallel_loop3A_244] {strides = array<i32>} : memref<376x128xf32, #tpu.memory_space<vmem>>, vector<16xf32>,
      %parallel_loop3A_246 = arith.cmpf ogt, %parallel_loop3A_245, %parallel_loop3A_190 : vector<16xf32>
      %parallel_loop3A_247 = arith.select %parallel_loop3A_246, %parallel_loop3A_245, %parallel_loop3A_190 : vector<16xi1>, vector<16xf32>
      %parallel_loop3A_248 = arith.select %parallel_loop3A_246, %parallel_loop3A_200, %parallel_loop3A_198 : vector<16xi1>, vector<16xi32>
      scf.yield %parallel_loop3A_205, %parallel_loop3A_211, %parallel_loop3A_217, %parallel_loop3A_223, %parallel_loop3A_229, %parallel_loop3A_235, %parallel_loop3A_241, %parallel_loop3A_247, %parallel_loop3A_206, %parallel_loop3A_212, %parallel_loop3A_218, %parallel_loop3A_224, %parallel_loop3A_230, %parallel_loop3A_236, %parallel_loop3A_242, %parallel_loop3A_248 : vector<16xf32>, vector<16xf32>, vector<16xf32>, vector<16xf32>, vector<16xf32>, vector<16xf32>, vector<16xf32>, vector<16xf32>, vector<16xi32>, vector<16xi32>, vector<16xi32>, vector<16xi32>, vector<16xi32>, vector<16xi32>, vector<16xi32>, vector<16xi32>
    } {sc.loop_unroll_factor = 2 : i64, sc.parallel_access}
    %add3A_98 = arith.constant 1128 : i32
    %add3A_99 = arith.addi %multiple_of3A, %add3A_98 : i32
    %multiple_of3A_100 = tpu.assume_multiple %add3A_99, 8 : i32
    %dma_start3A_101 = arith.constant 0 : i32
    %dma_start3A_102 = tpu.memref_slice %arg2[%multiple_of3A_100, %dma_start3A_101] : memref<100000x128xf32, #tpu.memory_space<hbm>> -> memref<376x128xf32, #tpu.memory_space<hbm>>
    %dma_start3A_103 = arith.constant 0 : i32
    %dma_start3A_104 = tpu.memref_slice %arg2[%multiple_of3A_100, %dma_start3A_103] : memref<100000x128xf32, #tpu.memory_space<hbm>> -> memref<376x128xf32, #tpu.memory_space<hbm>>
    tpu.enqueue_dma source(%dma_start3A_104 : memref<376x128xf32, #tpu.memory_space<hbm>>) target(%arg6 : memref<376x128xf32, #tpu.memory_space<vmem>>) target_semaphore(%arg10 : memref<!tpu.dma_semaphore, #tpu.memory_space<semaphore_mem>>)
    %add3A_105 = arith.constant 752 : i32
    %add3A_106 = arith.addi %multiple_of3A, %add3A_105 : i32
    %multiple_of3A_107 = tpu.assume_multiple %add3A_106, 8 : i32
    %dma_wait3A_108 = arith.constant 0 : i32
    %dma_wait3A_109 = tpu.memref_slice %arg2[%multiple_of3A_107, %dma_wait3A_108] : memref<100000x128xf32, #tpu.memory_space<hbm>> -> memref<376x128xf32, #tpu.memory_space<hbm>>
    %dma_wait3A_110 = arith.constant 0 : i32
    %dma_wait3A_111 = tpu.memref_slice %arg2[%multiple_of3A_107, %dma_wait3A_110] : memref<100000x128xf32, #tpu.memory_space<hbm>> -> memref<376x128xf32, #tpu.memory_space<hbm>>
    tpu.wait_dma2 semaphore(%arg9 : memref<!tpu.dma_semaphore, #tpu.memory_space<semaphore_mem>>) src(%dma_wait3A_111 : memref<376x128xf32, #tpu.memory_space<hbm>>) dst(%arg5 : memref<376x128xf32, #tpu.memory_space<vmem>>)
    %add3A_112 = arith.constant 752 : i32
    %add3A_113 = arith.addi %multiple_of3A, %add3A_112 : i32
    %parallel_loop3A_114 = arith.constant 0 : i32
    %parallel_loop3A_115 = arith.constant 376 : i32
    %parallel_loop3A_116 = arith.constant 1 : i32
    %parallel_loop3A_117:16 = scf.for %parallel_loop3A_182 = %parallel_loop3A_114 to %parallel_loop3A_115 step %parallel_loop3A_116 iter_args(%parallel_loop3A_183 = %parallel_loop3A_97#0, %parallel_loop3A_184 = %parallel_loop3A_97#1, %parallel_loop3A_185 = %parallel_loop3A_97#2, %parallel_loop3A_186 = %parallel_loop3A_97#3, %parallel_loop3A_187 = %parallel_loop3A_97#4, %parallel_loop3A_188 = %parallel_loop3A_97#5, %parallel_loop3A_189 = %parallel_loop3A_97#6, %parallel_loop3A_190 = %parallel_loop3A_97#7, %parallel_loop3A_191 = %parallel_loop3A_97#8, %parallel_loop3A_192 = %parallel_loop3A_97#9, %parallel_loop3A_193 = %parallel_loop3A_97#10, %parallel_loop3A_194 = %parallel_loop3A_97#11, %parallel_loop3A_195 = %parallel_loop3A_97#12, %parallel_loop3A_196 = %parallel_loop3A_97#13, %parallel_loop3A_197 = %parallel_loop3A_97#14, %parallel_loop3A_198 = %parallel_loop3A_97#15) -> (vector<16xf32>, vector<16xf32>, vector<16xf32>, vector<16xf32>, vector<16xf32>, vector<16xf32>, vector<16xf32>, vector<16xf32>, vector<16xi32>, vector<16xi32>, vector<16xi32>, vector<16xi32>, vector<16xi32>, vector<16xi32>, vector<16xi32>, vector<16xi32>)  : i32 {
      %parallel_loop3A_199 = arith.addi %add3A_113, %parallel_loop3A_182 : i32
      %parallel_loop3A_200 = vector.broadcast %parallel_loop3A_199 : i32 to vector<16xi32>
      %parallel_loop3A_201 = arith.index_cast %parallel_loop3A_182 : i32 to index
      %parallel_loop3A_202 = arith.constant 0 : index
      %parallel_loop3A_203 = tpu.vector_load %arg5[%parallel_loop3A_201, %parallel_loop3A_202] {strides = array<i32>} : memref<376x128xf32, #tpu.memory_space<vmem>>, vector<16xf32>,
      %parallel_loop3A_204 = arith.cmpf ogt, %parallel_loop3A_203, %parallel_loop3A_183 : vector<16xf32>
      %parallel_loop3A_205 = arith.select %parallel_loop3A_204, %parallel_loop3A_203, %parallel_loop3A_183 : vector<16xi1>, vector<16xf32>
      %parallel_loop3A_206 = arith.select %parallel_loop3A_204, %parallel_loop3A_200, %parallel_loop3A_191 : vector<16xi1>, vector<16xi32>
      %parallel_loop3A_207 = arith.index_cast %parallel_loop3A_182 : i32 to index
      %parallel_loop3A_208 = arith.constant 16 : index
      %parallel_loop3A_209 = tpu.vector_load %arg5[%parallel_loop3A_207, %parallel_loop3A_208] {strides = array<i32>} : memref<376x128xf32, #tpu.memory_space<vmem>>, vector<16xf32>,
      %parallel_loop3A_210 = arith.cmpf ogt, %parallel_loop3A_209, %parallel_loop3A_184 : vector<16xf32>
      %parallel_loop3A_211 = arith.select %parallel_loop3A_210, %parallel_loop3A_209, %parallel_loop3A_184 : vector<16xi1>, vector<16xf32>
      %parallel_loop3A_212 = arith.select %parallel_loop3A_210, %parallel_loop3A_200, %parallel_loop3A_192 : vector<16xi1>, vector<16xi32>
      %parallel_loop3A_213 = arith.index_cast %parallel_loop3A_182 : i32 to index
      %parallel_loop3A_214 = arith.constant 32 : index
      %parallel_loop3A_215 = tpu.vector_load %arg5[%parallel_loop3A_213, %parallel_loop3A_214] {strides = array<i32>} : memref<376x128xf32, #tpu.memory_space<vmem>>, vector<16xf32>,
      %parallel_loop3A_216 = arith.cmpf ogt, %parallel_loop3A_215, %parallel_loop3A_185 : vector<16xf32>
      %parallel_loop3A_217 = arith.select %parallel_loop3A_216, %parallel_loop3A_215, %parallel_loop3A_185 : vector<16xi1>, vector<16xf32>
      %parallel_loop3A_218 = arith.select %parallel_loop3A_216, %parallel_loop3A_200, %parallel_loop3A_193 : vector<16xi1>, vector<16xi32>
      %parallel_loop3A_219 = arith.index_cast %parallel_loop3A_182 : i32 to index
      %parallel_loop3A_220 = arith.constant 48 : index
      %parallel_loop3A_221 = tpu.vector_load %arg5[%parallel_loop3A_219, %parallel_loop3A_220] {strides = array<i32>} : memref<376x128xf32, #tpu.memory_space<vmem>>, vector<16xf32>,
      %parallel_loop3A_222 = arith.cmpf ogt, %parallel_loop3A_221, %parallel_loop3A_186 : vector<16xf32>
      %parallel_loop3A_223 = arith.select %parallel_loop3A_222, %parallel_loop3A_221, %parallel_loop3A_186 : vector<16xi1>, vector<16xf32>
      %parallel_loop3A_224 = arith.select %parallel_loop3A_222, %parallel_loop3A_200, %parallel_loop3A_194 : vector<16xi1>, vector<16xi32>
      %parallel_loop3A_225 = arith.index_cast %parallel_loop3A_182 : i32 to index
      %parallel_loop3A_226 = arith.constant 64 : index
      %parallel_loop3A_227 = tpu.vector_load %arg5[%parallel_loop3A_225, %parallel_loop3A_226] {strides = array<i32>} : memref<376x128xf32, #tpu.memory_space<vmem>>, vector<16xf32>,
      %parallel_loop3A_228 = arith.cmpf ogt, %parallel_loop3A_227, %parallel_loop3A_187 : vector<16xf32>
      %parallel_loop3A_229 = arith.select %parallel_loop3A_228, %parallel_loop3A_227, %parallel_loop3A_187 : vector<16xi1>, vector<16xf32>
      %parallel_loop3A_230 = arith.select %parallel_loop3A_228, %parallel_loop3A_200, %parallel_loop3A_195 : vector<16xi1>, vector<16xi32>
      %parallel_loop3A_231 = arith.index_cast %parallel_loop3A_182 : i32 to index
      %parallel_loop3A_232 = arith.constant 80 : index
      %parallel_loop3A_233 = tpu.vector_load %arg5[%parallel_loop3A_231, %parallel_loop3A_232] {strides = array<i32>} : memref<376x128xf32, #tpu.memory_space<vmem>>, vector<16xf32>,
      %parallel_loop3A_234 = arith.cmpf ogt, %parallel_loop3A_233, %parallel_loop3A_188 : vector<16xf32>
      %parallel_loop3A_235 = arith.select %parallel_loop3A_234, %parallel_loop3A_233, %parallel_loop3A_188 : vector<16xi1>, vector<16xf32>
      %parallel_loop3A_236 = arith.select %parallel_loop3A_234, %parallel_loop3A_200, %parallel_loop3A_196 : vector<16xi1>, vector<16xi32>
      %parallel_loop3A_237 = arith.index_cast %parallel_loop3A_182 : i32 to index
      %parallel_loop3A_238 = arith.constant 96 : index
      %parallel_loop3A_239 = tpu.vector_load %arg5[%parallel_loop3A_237, %parallel_loop3A_238] {strides = array<i32>} : memref<376x128xf32, #tpu.memory_space<vmem>>, vector<16xf32>,
      %parallel_loop3A_240 = arith.cmpf ogt, %parallel_loop3A_239, %parallel_loop3A_189 : vector<16xf32>
      %parallel_loop3A_241 = arith.select %parallel_loop3A_240, %parallel_loop3A_239, %parallel_loop3A_189 : vector<16xi1>, vector<16xf32>
      %parallel_loop3A_242 = arith.select %parallel_loop3A_240, %parallel_loop3A_200, %parallel_loop3A_197 : vector<16xi1>, vector<16xi32>
      %parallel_loop3A_243 = arith.index_cast %parallel_loop3A_182 : i32 to index
      %parallel_loop3A_244 = arith.constant 112 : index
      %parallel_loop3A_245 = tpu.vector_load %arg5[%parallel_loop3A_243, %parallel_loop3A_244] {strides = array<i32>} : memref<376x128xf32, #tpu.memory_space<vmem>>, vector<16xf32>,
      %parallel_loop3A_246 = arith.cmpf ogt, %parallel_loop3A_245, %parallel_loop3A_190 : vector<16xf32>
      %parallel_loop3A_247 = arith.select %parallel_loop3A_246, %parallel_loop3A_245, %parallel_loop3A_190 : vector<16xi1>, vector<16xf32>
      %parallel_loop3A_248 = arith.select %parallel_loop3A_246, %parallel_loop3A_200, %parallel_loop3A_198 : vector<16xi1>, vector<16xi32>
      scf.yield %parallel_loop3A_205, %parallel_loop3A_211, %parallel_loop3A_217, %parallel_loop3A_223, %parallel_loop3A_229, %parallel_loop3A_235, %parallel_loop3A_241, %parallel_loop3A_247, %parallel_loop3A_206, %parallel_loop3A_212, %parallel_loop3A_218, %parallel_loop3A_224, %parallel_loop3A_230, %parallel_loop3A_236, %parallel_loop3A_242, %parallel_loop3A_248 : vector<16xf32>, vector<16xf32>, vector<16xf32>, vector<16xf32>, vector<16xf32>, vector<16xf32>, vector<16xf32>, vector<16xf32>, vector<16xi32>, vector<16xi32>, vector<16xi32>, vector<16xi32>, vector<16xi32>, vector<16xi32>, vector<16xi32>, vector<16xi32>
    } {sc.loop_unroll_factor = 2 : i64, sc.parallel_access}
    %add3A_118 = arith.constant 1504 : i32
    %add3A_119 = arith.addi %multiple_of3A, %add3A_118 : i32
    %multiple_of3A_120 = tpu.assume_multiple %add3A_119, 8 : i32
    %dma_start3A_121 = arith.constant 0 : i32
    %dma_start3A_122 = tpu.memref_slice %arg2[%multiple_of3A_120, %dma_start3A_121] : memref<100000x128xf32, #tpu.memory_space<hbm>> -> memref<376x128xf32, #tpu.memory_space<hbm>>
    %dma_start3A_123 = arith.constant 0 : i32
    %dma_start3A_124 = tpu.memref_slice %arg2[%multiple_of3A_120, %dma_start3A_123] : memref<100000x128xf32, #tpu.memory_space<hbm>> -> memref<376x128xf32, #tpu.memory_space<hbm>>
    tpu.enqueue_dma source(%dma_start3A_124 : memref<376x128xf32, #tpu.memory_space<hbm>>) target(%arg5 : memref<376x128xf32, #tpu.memory_space<vmem>>) target_semaphore(%arg9 : memref<!tpu.dma_semaphore, #tpu.memory_space<semaphore_mem>>)
    %add3A_125 = arith.constant 1128 : i32
    %add3A_126 = arith.addi %multiple_of3A, %add3A_125 : i32
    %multiple_of3A_127 = tpu.assume_multiple %add3A_126, 8 : i32
    %dma_wait3A_128 = arith.constant 0 : i32
    %dma_wait3A_129 = tpu.memref_slice %arg2[%multiple_of3A_127, %dma_wait3A_128] : memref<100000x128xf32, #tpu.memory_space<hbm>> -> memref<376x128xf32, #tpu.memory_space<hbm>>
    %dma_wait3A_130 = arith.constant 0 : i32
    %dma_wait3A_131 = tpu.memref_slice %arg2[%multiple_of3A_127, %dma_wait3A_130] : memref<100000x128xf32, #tpu.memory_space<hbm>> -> memref<376x128xf32, #tpu.memory_space<hbm>>
    tpu.wait_dma2 semaphore(%arg10 : memref<!tpu.dma_semaphore, #tpu.memory_space<semaphore_mem>>) src(%dma_wait3A_131 : memref<376x128xf32, #tpu.memory_space<hbm>>) dst(%arg6 : memref<376x128xf32, #tpu.memory_space<vmem>>)
    %add3A_132 = arith.constant 1128 : i32
    %add3A_133 = arith.addi %multiple_of3A, %add3A_132 : i32
    %parallel_loop3A_134 = arith.constant 0 : i32
    %parallel_loop3A_135 = arith.constant 376 : i32
    %parallel_loop3A_136 = arith.constant 1 : i32
    %parallel_loop3A_137:16 = scf.for %parallel_loop3A_182 = %parallel_loop3A_134 to %parallel_loop3A_135 step %parallel_loop3A_136 iter_args(%parallel_loop3A_183 = %parallel_loop3A_117#0, %parallel_loop3A_184 = %parallel_loop3A_117#1, %parallel_loop3A_185 = %parallel_loop3A_117#2, %parallel_loop3A_186 = %parallel_loop3A_117#3, %parallel_loop3A_187 = %parallel_loop3A_117#4, %parallel_loop3A_188 = %parallel_loop3A_117#5, %parallel_loop3A_189 = %parallel_loop3A_117#6, %parallel_loop3A_190 = %parallel_loop3A_117#7, %parallel_loop3A_191 = %parallel_loop3A_117#8, %parallel_loop3A_192 = %parallel_loop3A_117#9, %parallel_loop3A_193 = %parallel_loop3A_117#10, %parallel_loop3A_194 = %parallel_loop3A_117#11, %parallel_loop3A_195 = %parallel_loop3A_117#12, %parallel_loop3A_196 = %parallel_loop3A_117#13, %parallel_loop3A_197 = %parallel_loop3A_117#14, %parallel_loop3A_198 = %parallel_loop3A_117#15) -> (vector<16xf32>, vector<16xf32>, vector<16xf32>, vector<16xf32>, vector<16xf32>, vector<16xf32>, vector<16xf32>, vector<16xf32>, vector<16xi32>, vector<16xi32>, vector<16xi32>, vector<16xi32>, vector<16xi32>, vector<16xi32>, vector<16xi32>, vector<16xi32>)  : i32 {
      %parallel_loop3A_199 = arith.addi %add3A_133, %parallel_loop3A_182 : i32
      %parallel_loop3A_200 = vector.broadcast %parallel_loop3A_199 : i32 to vector<16xi32>
      %parallel_loop3A_201 = arith.index_cast %parallel_loop3A_182 : i32 to index
      %parallel_loop3A_202 = arith.constant 0 : index
      %parallel_loop3A_203 = tpu.vector_load %arg6[%parallel_loop3A_201, %parallel_loop3A_202] {strides = array<i32>} : memref<376x128xf32, #tpu.memory_space<vmem>>, vector<16xf32>,
      %parallel_loop3A_204 = arith.cmpf ogt, %parallel_loop3A_203, %parallel_loop3A_183 : vector<16xf32>
      %parallel_loop3A_205 = arith.select %parallel_loop3A_204, %parallel_loop3A_203, %parallel_loop3A_183 : vector<16xi1>, vector<16xf32>
      %parallel_loop3A_206 = arith.select %parallel_loop3A_204, %parallel_loop3A_200, %parallel_loop3A_191 : vector<16xi1>, vector<16xi32>
      %parallel_loop3A_207 = arith.index_cast %parallel_loop3A_182 : i32 to index
      %parallel_loop3A_208 = arith.constant 16 : index
      %parallel_loop3A_209 = tpu.vector_load %arg6[%parallel_loop3A_207, %parallel_loop3A_208] {strides = array<i32>} : memref<376x128xf32, #tpu.memory_space<vmem>>, vector<16xf32>,
      %parallel_loop3A_210 = arith.cmpf ogt, %parallel_loop3A_209, %parallel_loop3A_184 : vector<16xf32>
      %parallel_loop3A_211 = arith.select %parallel_loop3A_210, %parallel_loop3A_209, %parallel_loop3A_184 : vector<16xi1>, vector<16xf32>
      %parallel_loop3A_212 = arith.select %parallel_loop3A_210, %parallel_loop3A_200, %parallel_loop3A_192 : vector<16xi1>, vector<16xi32>
      %parallel_loop3A_213 = arith.index_cast %parallel_loop3A_182 : i32 to index
      %parallel_loop3A_214 = arith.constant 32 : index
      %parallel_loop3A_215 = tpu.vector_load %arg6[%parallel_loop3A_213, %parallel_loop3A_214] {strides = array<i32>} : memref<376x128xf32, #tpu.memory_space<vmem>>, vector<16xf32>,
      %parallel_loop3A_216 = arith.cmpf ogt, %parallel_loop3A_215, %parallel_loop3A_185 : vector<16xf32>
      %parallel_loop3A_217 = arith.select %parallel_loop3A_216, %parallel_loop3A_215, %parallel_loop3A_185 : vector<16xi1>, vector<16xf32>
      %parallel_loop3A_218 = arith.select %parallel_loop3A_216, %parallel_loop3A_200, %parallel_loop3A_193 : vector<16xi1>, vector<16xi32>
      %parallel_loop3A_219 = arith.index_cast %parallel_loop3A_182 : i32 to index
      %parallel_loop3A_220 = arith.constant 48 : index
      %parallel_loop3A_221 = tpu.vector_load %arg6[%parallel_loop3A_219, %parallel_loop3A_220] {strides = array<i32>} : memref<376x128xf32, #tpu.memory_space<vmem>>, vector<16xf32>,
      %parallel_loop3A_222 = arith.cmpf ogt, %parallel_loop3A_221, %parallel_loop3A_186 : vector<16xf32>
      %parallel_loop3A_223 = arith.select %parallel_loop3A_222, %parallel_loop3A_221, %parallel_loop3A_186 : vector<16xi1>, vector<16xf32>
      %parallel_loop3A_224 = arith.select %parallel_loop3A_222, %parallel_loop3A_200, %parallel_loop3A_194 : vector<16xi1>, vector<16xi32>
      %parallel_loop3A_225 = arith.index_cast %parallel_loop3A_182 : i32 to index
      %parallel_loop3A_226 = arith.constant 64 : index
      %parallel_loop3A_227 = tpu.vector_load %arg6[%parallel_loop3A_225, %parallel_loop3A_226] {strides = array<i32>} : memref<376x128xf32, #tpu.memory_space<vmem>>, vector<16xf32>,
      %parallel_loop3A_228 = arith.cmpf ogt, %parallel_loop3A_227, %parallel_loop3A_187 : vector<16xf32>
      %parallel_loop3A_229 = arith.select %parallel_loop3A_228, %parallel_loop3A_227, %parallel_loop3A_187 : vector<16xi1>, vector<16xf32>
      %parallel_loop3A_230 = arith.select %parallel_loop3A_228, %parallel_loop3A_200, %parallel_loop3A_195 : vector<16xi1>, vector<16xi32>
      %parallel_loop3A_231 = arith.index_cast %parallel_loop3A_182 : i32 to index
      %parallel_loop3A_232 = arith.constant 80 : index
      %parallel_loop3A_233 = tpu.vector_load %arg6[%parallel_loop3A_231, %parallel_loop3A_232] {strides = array<i32>} : memref<376x128xf32, #tpu.memory_space<vmem>>, vector<16xf32>,
      %parallel_loop3A_234 = arith.cmpf ogt, %parallel_loop3A_233, %parallel_loop3A_188 : vector<16xf32>
      %parallel_loop3A_235 = arith.select %parallel_loop3A_234, %parallel_loop3A_233, %parallel_loop3A_188 : vector<16xi1>, vector<16xf32>
      %parallel_loop3A_236 = arith.select %parallel_loop3A_234, %parallel_loop3A_200, %parallel_loop3A_196 : vector<16xi1>, vector<16xi32>
      %parallel_loop3A_237 = arith.index_cast %parallel_loop3A_182 : i32 to index
      %parallel_loop3A_238 = arith.constant 96 : index
      %parallel_loop3A_239 = tpu.vector_load %arg6[%parallel_loop3A_237, %parallel_loop3A_238] {strides = array<i32>} : memref<376x128xf32, #tpu.memory_space<vmem>>, vector<16xf32>,
      %parallel_loop3A_240 = arith.cmpf ogt, %parallel_loop3A_239, %parallel_loop3A_189 : vector<16xf32>
      %parallel_loop3A_241 = arith.select %parallel_loop3A_240, %parallel_loop3A_239, %parallel_loop3A_189 : vector<16xi1>, vector<16xf32>
      %parallel_loop3A_242 = arith.select %parallel_loop3A_240, %parallel_loop3A_200, %parallel_loop3A_197 : vector<16xi1>, vector<16xi32>
      %parallel_loop3A_243 = arith.index_cast %parallel_loop3A_182 : i32 to index
      %parallel_loop3A_244 = arith.constant 112 : index
      %parallel_loop3A_245 = tpu.vector_load %arg6[%parallel_loop3A_243, %parallel_loop3A_244] {strides = array<i32>} : memref<376x128xf32, #tpu.memory_space<vmem>>, vector<16xf32>,
      %parallel_loop3A_246 = arith.cmpf ogt, %parallel_loop3A_245, %parallel_loop3A_190 : vector<16xf32>
      %parallel_loop3A_247 = arith.select %parallel_loop3A_246, %parallel_loop3A_245, %parallel_loop3A_190 : vector<16xi1>, vector<16xf32>
      %parallel_loop3A_248 = arith.select %parallel_loop3A_246, %parallel_loop3A_200, %parallel_loop3A_198 : vector<16xi1>, vector<16xi32>
      scf.yield %parallel_loop3A_205, %parallel_loop3A_211, %parallel_loop3A_217, %parallel_loop3A_223, %parallel_loop3A_229, %parallel_loop3A_235, %parallel_loop3A_241, %parallel_loop3A_247, %parallel_loop3A_206, %parallel_loop3A_212, %parallel_loop3A_218, %parallel_loop3A_224, %parallel_loop3A_230, %parallel_loop3A_236, %parallel_loop3A_242, %parallel_loop3A_248 : vector<16xf32>, vector<16xf32>, vector<16xf32>, vector<16xf32>, vector<16xf32>, vector<16xf32>, vector<16xf32>, vector<16xf32>, vector<16xi32>, vector<16xi32>, vector<16xi32>, vector<16xi32>, vector<16xi32>, vector<16xi32>, vector<16xi32>, vector<16xi32>
    } {sc.loop_unroll_factor = 2 : i64, sc.parallel_access}
    %add3A_138 = arith.constant 1504 : i32
    %add3A_139 = arith.addi %multiple_of3A, %add3A_138 : i32
    %multiple_of3A_140 = tpu.assume_multiple %add3A_139, 8 : i32
    %dma_wait3A_141 = arith.constant 0 : i32
    %dma_wait3A_142 = tpu.memref_slice %arg2[%multiple_of3A_140, %dma_wait3A_141] : memref<100000x128xf32, #tpu.memory_space<hbm>> -> memref<376x128xf32, #tpu.memory_space<hbm>>
    %dma_wait3A_143 = arith.constant 0 : i32
    %dma_wait3A_144 = tpu.memref_slice %arg2[%multiple_of3A_140, %dma_wait3A_143] : memref<100000x128xf32, #tpu.memory_space<hbm>> -> memref<376x128xf32, #tpu.memory_space<hbm>>
    tpu.wait_dma2 semaphore(%arg9 : memref<!tpu.dma_semaphore, #tpu.memory_space<semaphore_mem>>) src(%dma_wait3A_144 : memref<376x128xf32, #tpu.memory_space<hbm>>) dst(%arg5 : memref<376x128xf32, #tpu.memory_space<vmem>>)
    %add3A_145 = arith.constant 1504 : i32
    %add3A_146 = arith.addi %multiple_of3A, %add3A_145 : i32
    %parallel_loop3A_147 = arith.constant 0 : i32
    %parallel_loop3A_148 = arith.constant 376 : i32
    %parallel_loop3A_149 = arith.constant 1 : i32
    %parallel_loop3A_150:16 = scf.for %parallel_loop3A_182 = %parallel_loop3A_147 to %parallel_loop3A_148 step %parallel_loop3A_149 iter_args(%parallel_loop3A_183 = %parallel_loop3A_137#0, %parallel_loop3A_184 = %parallel_loop3A_137#1, %parallel_loop3A_185 = %parallel_loop3A_137#2, %parallel_loop3A_186 = %parallel_loop3A_137#3, %parallel_loop3A_187 = %parallel_loop3A_137#4, %parallel_loop3A_188 = %parallel_loop3A_137#5, %parallel_loop3A_189 = %parallel_loop3A_137#6, %parallel_loop3A_190 = %parallel_loop3A_137#7, %parallel_loop3A_191 = %parallel_loop3A_137#8, %parallel_loop3A_192 = %parallel_loop3A_137#9, %parallel_loop3A_193 = %parallel_loop3A_137#10, %parallel_loop3A_194 = %parallel_loop3A_137#11, %parallel_loop3A_195 = %parallel_loop3A_137#12, %parallel_loop3A_196 = %parallel_loop3A_137#13, %parallel_loop3A_197 = %parallel_loop3A_137#14, %parallel_loop3A_198 = %parallel_loop3A_137#15) -> (vector<16xf32>, vector<16xf32>, vector<16xf32>, vector<16xf32>, vector<16xf32>, vector<16xf32>, vector<16xf32>, vector<16xf32>, vector<16xi32>, vector<16xi32>, vector<16xi32>, vector<16xi32>, vector<16xi32>, vector<16xi32>, vector<16xi32>, vector<16xi32>)  : i32 {
      %parallel_loop3A_199 = arith.addi %add3A_146, %parallel_loop3A_182 : i32
      %parallel_loop3A_200 = vector.broadcast %parallel_loop3A_199 : i32 to vector<16xi32>
      %parallel_loop3A_201 = arith.index_cast %parallel_loop3A_182 : i32 to index
      %parallel_loop3A_202 = arith.constant 0 : index
      %parallel_loop3A_203 = tpu.vector_load %arg5[%parallel_loop3A_201, %parallel_loop3A_202] {strides = array<i32>} : memref<376x128xf32, #tpu.memory_space<vmem>>, vector<16xf32>,
      %parallel_loop3A_204 = arith.cmpf ogt, %parallel_loop3A_203, %parallel_loop3A_183 : vector<16xf32>
      %parallel_loop3A_205 = arith.select %parallel_loop3A_204, %parallel_loop3A_203, %parallel_loop3A_183 : vector<16xi1>, vector<16xf32>
      %parallel_loop3A_206 = arith.select %parallel_loop3A_204, %parallel_loop3A_200, %parallel_loop3A_191 : vector<16xi1>, vector<16xi32>
      %parallel_loop3A_207 = arith.index_cast %parallel_loop3A_182 : i32 to index
      %parallel_loop3A_208 = arith.constant 16 : index
      %parallel_loop3A_209 = tpu.vector_load %arg5[%parallel_loop3A_207, %parallel_loop3A_208] {strides = array<i32>} : memref<376x128xf32, #tpu.memory_space<vmem>>, vector<16xf32>,
      %parallel_loop3A_210 = arith.cmpf ogt, %parallel_loop3A_209, %parallel_loop3A_184 : vector<16xf32>
      %parallel_loop3A_211 = arith.select %parallel_loop3A_210, %parallel_loop3A_209, %parallel_loop3A_184 : vector<16xi1>, vector<16xf32>
      %parallel_loop3A_212 = arith.select %parallel_loop3A_210, %parallel_loop3A_200, %parallel_loop3A_192 : vector<16xi1>, vector<16xi32>
      %parallel_loop3A_213 = arith.index_cast %parallel_loop3A_182 : i32 to index
      %parallel_loop3A_214 = arith.constant 32 : index
      %parallel_loop3A_215 = tpu.vector_load %arg5[%parallel_loop3A_213, %parallel_loop3A_214] {strides = array<i32>} : memref<376x128xf32, #tpu.memory_space<vmem>>, vector<16xf32>,
      %parallel_loop3A_216 = arith.cmpf ogt, %parallel_loop3A_215, %parallel_loop3A_185 : vector<16xf32>
      %parallel_loop3A_217 = arith.select %parallel_loop3A_216, %parallel_loop3A_215, %parallel_loop3A_185 : vector<16xi1>, vector<16xf32>
      %parallel_loop3A_218 = arith.select %parallel_loop3A_216, %parallel_loop3A_200, %parallel_loop3A_193 : vector<16xi1>, vector<16xi32>
      %parallel_loop3A_219 = arith.index_cast %parallel_loop3A_182 : i32 to index
      %parallel_loop3A_220 = arith.constant 48 : index
      %parallel_loop3A_221 = tpu.vector_load %arg5[%parallel_loop3A_219, %parallel_loop3A_220] {strides = array<i32>} : memref<376x128xf32, #tpu.memory_space<vmem>>, vector<16xf32>,
      %parallel_loop3A_222 = arith.cmpf ogt, %parallel_loop3A_221, %parallel_loop3A_186 : vector<16xf32>
      %parallel_loop3A_223 = arith.select %parallel_loop3A_222, %parallel_loop3A_221, %parallel_loop3A_186 : vector<16xi1>, vector<16xf32>
      %parallel_loop3A_224 = arith.select %parallel_loop3A_222, %parallel_loop3A_200, %parallel_loop3A_194 : vector<16xi1>, vector<16xi32>
      %parallel_loop3A_225 = arith.index_cast %parallel_loop3A_182 : i32 to index
      %parallel_loop3A_226 = arith.constant 64 : index
      %parallel_loop3A_227 = tpu.vector_load %arg5[%parallel_loop3A_225, %parallel_loop3A_226] {strides = array<i32>} : memref<376x128xf32, #tpu.memory_space<vmem>>, vector<16xf32>,
      %parallel_loop3A_228 = arith.cmpf ogt, %parallel_loop3A_227, %parallel_loop3A_187 : vector<16xf32>
      %parallel_loop3A_229 = arith.select %parallel_loop3A_228, %parallel_loop3A_227, %parallel_loop3A_187 : vector<16xi1>, vector<16xf32>
      %parallel_loop3A_230 = arith.select %parallel_loop3A_228, %parallel_loop3A_200, %parallel_loop3A_195 : vector<16xi1>, vector<16xi32>
      %parallel_loop3A_231 = arith.index_cast %parallel_loop3A_182 : i32 to index
      %parallel_loop3A_232 = arith.constant 80 : index
      %parallel_loop3A_233 = tpu.vector_load %arg5[%parallel_loop3A_231, %parallel_loop3A_232] {strides = array<i32>} : memref<376x128xf32, #tpu.memory_space<vmem>>, vector<16xf32>,
      %parallel_loop3A_234 = arith.cmpf ogt, %parallel_loop3A_233, %parallel_loop3A_188 : vector<16xf32>
      %parallel_loop3A_235 = arith.select %parallel_loop3A_234, %parallel_loop3A_233, %parallel_loop3A_188 : vector<16xi1>, vector<16xf32>
      %parallel_loop3A_236 = arith.select %parallel_loop3A_234, %parallel_loop3A_200, %parallel_loop3A_196 : vector<16xi1>, vector<16xi32>
      %parallel_loop3A_237 = arith.index_cast %parallel_loop3A_182 : i32 to index
      %parallel_loop3A_238 = arith.constant 96 : index
      %parallel_loop3A_239 = tpu.vector_load %arg5[%parallel_loop3A_237, %parallel_loop3A_238] {strides = array<i32>} : memref<376x128xf32, #tpu.memory_space<vmem>>, vector<16xf32>,
      %parallel_loop3A_240 = arith.cmpf ogt, %parallel_loop3A_239, %parallel_loop3A_189 : vector<16xf32>
      %parallel_loop3A_241 = arith.select %parallel_loop3A_240, %parallel_loop3A_239, %parallel_loop3A_189 : vector<16xi1>, vector<16xf32>
      %parallel_loop3A_242 = arith.select %parallel_loop3A_240, %parallel_loop3A_200, %parallel_loop3A_197 : vector<16xi1>, vector<16xi32>
      %parallel_loop3A_243 = arith.index_cast %parallel_loop3A_182 : i32 to index
      %parallel_loop3A_244 = arith.constant 112 : index
      %parallel_loop3A_245 = tpu.vector_load %arg5[%parallel_loop3A_243, %parallel_loop3A_244] {strides = array<i32>} : memref<376x128xf32, #tpu.memory_space<vmem>>, vector<16xf32>,
      %parallel_loop3A_246 = arith.cmpf ogt, %parallel_loop3A_245, %parallel_loop3A_190 : vector<16xf32>
      %parallel_loop3A_247 = arith.select %parallel_loop3A_246, %parallel_loop3A_245, %parallel_loop3A_190 : vector<16xi1>, vector<16xf32>
      %parallel_loop3A_248 = arith.select %parallel_loop3A_246, %parallel_loop3A_200, %parallel_loop3A_198 : vector<16xi1>, vector<16xi32>
      scf.yield %parallel_loop3A_205, %parallel_loop3A_211, %parallel_loop3A_217, %parallel_loop3A_223, %parallel_loop3A_229, %parallel_loop3A_235, %parallel_loop3A_241, %parallel_loop3A_247, %parallel_loop3A_206, %parallel_loop3A_212, %parallel_loop3A_218, %parallel_loop3A_224, %parallel_loop3A_230, %parallel_loop3A_236, %parallel_loop3A_242, %parallel_loop3A_248 : vector<16xf32>, vector<16xf32>, vector<16xf32>, vector<16xf32>, vector<16xf32>, vector<16xf32>, vector<16xf32>, vector<16xf32>, vector<16xi32>, vector<16xi32>, vector<16xi32>, vector<16xi32>, vector<16xi32>, vector<16xi32>, vector<16xi32>, vector<16xi32>
    } {sc.loop_unroll_factor = 2 : i64, sc.parallel_access}
    %swap3A = arith.constant 0 : index
    %swap3A_151 = tpu.vector_load %arg7[%swap3A] {strides = array<i32>} : memref<128xf32, #tpu.memory_space<vmem>>, vector<16xf32>,
    tpu.vector_store %arg7[%swap3A], %parallel_loop3A_150#0 {strides = array<i32>} : memref<128xf32, #tpu.memory_space<vmem>>, vector<16xf32>,
    %swap3A_152 = arith.constant 0 : index
    %swap3A_153 = tpu.vector_load %arg8[%swap3A_152] {strides = array<i32>} : memref<128xi32, #tpu.memory_space<vmem>>, vector<16xi32>,
    tpu.vector_store %arg8[%swap3A_152], %parallel_loop3A_150#8 {strides = array<i32>} : memref<128xi32, #tpu.memory_space<vmem>>, vector<16xi32>,
    %swap3A_154 = arith.constant 16 : index
    %swap3A_155 = tpu.vector_load %arg7[%swap3A_154] {strides = array<i32>} : memref<128xf32, #tpu.memory_space<vmem>>, vector<16xf32>,
    tpu.vector_store %arg7[%swap3A_154], %parallel_loop3A_150#1 {strides = array<i32>} : memref<128xf32, #tpu.memory_space<vmem>>, vector<16xf32>,
    %swap3A_156 = arith.constant 16 : index
    %swap3A_157 = tpu.vector_load %arg8[%swap3A_156] {strides = array<i32>} : memref<128xi32, #tpu.memory_space<vmem>>, vector<16xi32>,
    tpu.vector_store %arg8[%swap3A_156], %parallel_loop3A_150#9 {strides = array<i32>} : memref<128xi32, #tpu.memory_space<vmem>>, vector<16xi32>,
    %swap3A_158 = arith.constant 32 : index
    %swap3A_159 = tpu.vector_load %arg7[%swap3A_158] {strides = array<i32>} : memref<128xf32, #tpu.memory_space<vmem>>, vector<16xf32>,
    tpu.vector_store %arg7[%swap3A_158], %parallel_loop3A_150#2 {strides = array<i32>} : memref<128xf32, #tpu.memory_space<vmem>>, vector<16xf32>,
    %swap3A_160 = arith.constant 32 : index
    %swap3A_161 = tpu.vector_load %arg8[%swap3A_160] {strides = array<i32>} : memref<128xi32, #tpu.memory_space<vmem>>, vector<16xi32>,
    tpu.vector_store %arg8[%swap3A_160], %parallel_loop3A_150#10 {strides = array<i32>} : memref<128xi32, #tpu.memory_space<vmem>>, vector<16xi32>,
    %swap3A_162 = arith.constant 48 : index
    %swap3A_163 = tpu.vector_load %arg7[%swap3A_162] {strides = array<i32>} : memref<128xf32, #tpu.memory_space<vmem>>, vector<16xf32>,
    tpu.vector_store %arg7[%swap3A_162], %parallel_loop3A_150#3 {strides = array<i32>} : memref<128xf32, #tpu.memory_space<vmem>>, vector<16xf32>,
    %swap3A_164 = arith.constant 48 : index
    %swap3A_165 = tpu.vector_load %arg8[%swap3A_164] {strides = array<i32>} : memref<128xi32, #tpu.memory_space<vmem>>, vector<16xi32>,
    tpu.vector_store %arg8[%swap3A_164], %parallel_loop3A_150#11 {strides = array<i32>} : memref<128xi32, #tpu.memory_space<vmem>>, vector<16xi32>,
    %swap3A_166 = arith.constant 64 : index
    %swap3A_167 = tpu.vector_load %arg7[%swap3A_166] {strides = array<i32>} : memref<128xf32, #tpu.memory_space<vmem>>, vector<16xf32>,
    tpu.vector_store %arg7[%swap3A_166], %parallel_loop3A_150#4 {strides = array<i32>} : memref<128xf32, #tpu.memory_space<vmem>>, vector<16xf32>,
    %swap3A_168 = arith.constant 64 : index
    %swap3A_169 = tpu.vector_load %arg8[%swap3A_168] {strides = array<i32>} : memref<128xi32, #tpu.memory_space<vmem>>, vector<16xi32>,
    tpu.vector_store %arg8[%swap3A_168], %parallel_loop3A_150#12 {strides = array<i32>} : memref<128xi32, #tpu.memory_space<vmem>>, vector<16xi32>,
    %swap3A_170 = arith.constant 80 : index
    %swap3A_171 = tpu.vector_load %arg7[%swap3A_170] {strides = array<i32>} : memref<128xf32, #tpu.memory_space<vmem>>, vector<16xf32>,
    tpu.vector_store %arg7[%swap3A_170], %parallel_loop3A_150#5 {strides = array<i32>} : memref<128xf32, #tpu.memory_space<vmem>>, vector<16xf32>,
    %swap3A_172 = arith.constant 80 : index
    %swap3A_173 = tpu.vector_load %arg8[%swap3A_172] {strides = array<i32>} : memref<128xi32, #tpu.memory_space<vmem>>, vector<16xi32>,
    tpu.vector_store %arg8[%swap3A_172], %parallel_loop3A_150#13 {strides = array<i32>} : memref<128xi32, #tpu.memory_space<vmem>>, vector<16xi32>,
    %swap3A_174 = arith.constant 96 : index
    %swap3A_175 = tpu.vector_load %arg7[%swap3A_174] {strides = array<i32>} : memref<128xf32, #tpu.memory_space<vmem>>, vector<16xf32>,
    tpu.vector_store %arg7[%swap3A_174], %parallel_loop3A_150#6 {strides = array<i32>} : memref<128xf32, #tpu.memory_space<vmem>>, vector<16xf32>,
    %swap3A_176 = arith.constant 96 : index
    %swap3A_177 = tpu.vector_load %arg8[%swap3A_176] {strides = array<i32>} : memref<128xi32, #tpu.memory_space<vmem>>, vector<16xi32>,
    tpu.vector_store %arg8[%swap3A_176], %parallel_loop3A_150#14 {strides = array<i32>} : memref<128xi32, #tpu.memory_space<vmem>>, vector<16xi32>,
    %swap3A_178 = arith.constant 112 : index
    %swap3A_179 = tpu.vector_load %arg7[%swap3A_178] {strides = array<i32>} : memref<128xf32, #tpu.memory_space<vmem>>, vector<16xf32>,
    tpu.vector_store %arg7[%swap3A_178], %parallel_loop3A_150#7 {strides = array<i32>} : memref<128xf32, #tpu.memory_space<vmem>>, vector<16xf32>,
    %swap3A_180 = arith.constant 112 : index
    %swap3A_181 = tpu.vector_load %arg8[%swap3A_180] {strides = array<i32>} : memref<128xi32, #tpu.memory_space<vmem>>, vector<16xi32>,
    tpu.vector_store %arg8[%swap3A_180], %parallel_loop3A_150#15 {strides = array<i32>} : memref<128xi32, #tpu.memory_space<vmem>>, vector<16xi32>,
    "tpu.region"() ({
      %run_scoped3A = tpu.sem_alloc : memref<!tpu.dma_semaphore, #tpu.memory_space<semaphore_mem>>
      %dma_start3A_182 = arith.constant 0 : i32
      %dma_start3A_183 = tpu.memref_slice %arg3[%add3A, %dma_start3A_182] : memref<32x128xf32, #tpu.memory_space<hbm>> -> memref<1x128xf32, #tpu.memory_space<hbm>>
      %dma_start3A_184 = tpu.memref_squeeze %dma_start3A_183 : memref<1x128xf32, #tpu.memory_space<hbm>> -> memref<128xf32, #tpu.memory_space<hbm>>
      %dma_start3A_185 = arith.constant 0 : i32
      %dma_start3A_186 = tpu.memref_slice %arg3[%add3A, %dma_start3A_185] : memref<32x128xf32, #tpu.memory_space<hbm>> -> memref<1x128xf32, #tpu.memory_space<hbm>>
      %dma_start3A_187 = tpu.memref_squeeze %dma_start3A_186 : memref<1x128xf32, #tpu.memory_space<hbm>> -> memref<128xf32, #tpu.memory_space<hbm>>
      tpu.enqueue_dma source(%arg7 : memref<128xf32, #tpu.memory_space<vmem>>) target(%dma_start3A_187 : memref<128xf32, #tpu.memory_space<hbm>>) target_semaphore(%run_scoped3A : memref<!tpu.dma_semaphore, #tpu.memory_space<semaphore_mem>>)
      %dma_wait3A_188 = arith.constant 0 : i32
      %dma_wait3A_189 = tpu.memref_slice %arg3[%add3A, %dma_wait3A_188] : memref<32x128xf32, #tpu.memory_space<hbm>> -> memref<1x128xf32, #tpu.memory_space<hbm>>
      %dma_wait3A_190 = tpu.memref_squeeze %dma_wait3A_189 : memref<1x128xf32, #tpu.memory_space<hbm>> -> memref<128xf32, #tpu.memory_space<hbm>>
      %dma_wait3A_191 = arith.constant 0 : i32
      %dma_wait3A_192 = tpu.memref_slice %arg3[%add3A, %dma_wait3A_191] : memref<32x128xf32, #tpu.memory_space<hbm>> -> memref<1x128xf32, #tpu.memory_space<hbm>>
      %dma_wait3A_193 = tpu.memref_squeeze %dma_wait3A_192 : memref<1x128xf32, #tpu.memory_space<hbm>> -> memref<128xf32, #tpu.memory_space<hbm>>
      tpu.wait_dma2 semaphore(%run_scoped3A : memref<!tpu.dma_semaphore, #tpu.memory_space<semaphore_mem>>) src(%arg7 : memref<128xf32, #tpu.memory_space<vmem>>) dst(%dma_wait3A_193 : memref<128xf32, #tpu.memory_space<hbm>>)
      tpu.yield
    }) : () -> ()
    "tpu.region"() ({
      %run_scoped3A = tpu.sem_alloc : memref<!tpu.dma_semaphore, #tpu.memory_space<semaphore_mem>>
      %dma_start3A_182 = arith.constant 0 : i32
      %dma_start3A_183 = tpu.memref_slice %arg4[%add3A, %dma_start3A_182] : memref<32x128xi32, #tpu.memory_space<hbm>> -> memref<1x128xi32, #tpu.memory_space<hbm>>
      %dma_start3A_184 = tpu.memref_squeeze %dma_start3A_183 : memref<1x128xi32, #tpu.memory_space<hbm>> -> memref<128xi32, #tpu.memory_space<hbm>>
      %dma_start3A_185 = arith.constant 0 : i32
      %dma_start3A_186 = tpu.memref_slice %arg4[%add3A, %dma_start3A_185] : memref<32x128xi32, #tpu.memory_space<hbm>> -> memref<1x128xi32, #tpu.memory_space<hbm>>
      %dma_start3A_187 = tpu.memref_squeeze %dma_start3A_186 : memref<1x128xi32, #tpu.memory_space<hbm>> -> memref<128xi32, #tpu.memory_space<hbm>>
      tpu.enqueue_dma source(%arg8 : memref<128xi32, #tpu.memory_space<vmem>>) target(%dma_start3A_187 : memref<128xi32, #tpu.memory_space<hbm>>) target_semaphore(%run_scoped3A : memref<!tpu.dma_semaphore, #tpu.memory_space<semaphore_mem>>)
      %dma_wait3A_188 = arith.constant 0 : i32
      %dma_wait3A_189 = tpu.memref_slice %arg4[%add3A, %dma_wait3A_188] : memref<32x128xi32, #tpu.memory_space<hbm>> -> memref<1x128xi32, #tpu.memory_space<hbm>>
      %dma_wait3A_190 = tpu.memref_squeeze %dma_wait3A_189 : memref<1x128xi32, #tpu.memory_space<hbm>> -> memref<128xi32, #tpu.memory_space<hbm>>
      %dma_wait3A_191 = arith.constant 0 : i32
      %dma_wait3A_192 = tpu.memref_slice %arg4[%add3A, %dma_wait3A_191] : memref<32x128xi32, #tpu.memory_space<hbm>> -> memref<1x128xi32, #tpu.memory_space<hbm>>
      %dma_wait3A_193 = tpu.memref_squeeze %dma_wait3A_192 : memref<1x128xi32, #tpu.memory_space<hbm>> -> memref<128xi32, #tpu.memory_space<hbm>>
      tpu.wait_dma2 semaphore(%run_scoped3A : memref<!tpu.dma_semaphore, #tpu.memory_space<semaphore_mem>>) src(%arg8 : memref<128xi32, #tpu.memory_space<vmem>>) dst(%dma_wait3A_193 : memref<128xi32, #tpu.memory_space<hbm>>)
      tpu.yield
    }) : () -> ()
    return
  }
}

module attributes {stable_mosaic.version = 14 : i64} {
  func.func @_tc_body(%arg0: i32, %arg1: memref<2000x128xf32, #tpu.memory_space<vmem>>, %arg2: memref<1x128xf32, #tpu.memory_space<vmem>>, %arg3: memref<1x128xi32, #tpu.memory_space<vmem>>, %arg4: memref<1x128xf32, #tpu.memory_space<vmem>>, %arg5: memref<1x128xi32, #tpu.memory_space<vmem>>, %arg6: memref<1x128xi32, #tpu.memory_space<vmem>>, %arg7: memref<2000x128xi32, #tpu.memory_space<vmem>>) attributes {dimension_semantics = [#tpu.dimension_semantics<arbitrary>], iteration_bounds = array<i64: 20>, scalar_prefetch = 0 : i64, scratch_operands = 4 : i64, tpu.core_type = #tpu.core_type<tc>, window_params = [{transform_indices = @transform_0, window_bounds = array<i64: 2000, 128>}, {pipeline_mode = #tpu.pipeline_mode<synchronous>, transform_indices = @transform_1, window_bounds = array<i64: 1, 128>}, {pipeline_mode = #tpu.pipeline_mode<synchronous>, transform_indices = @transform_2, window_bounds = array<i64: 1, 128>}]} {
    %eq3A = arith.constant 0 : i32
    %eq3A_0 = arith.cmpi eq, %arg0, %eq3A : i32
    %convert_element_type3A = arith.extui %eq3A_0 : i1 to i32
    %cond3A = arith.constant 0 : i32
    %cond3A_1 = arith.cmpi ne, %convert_element_type3A, %cond3A : i32
    scf.if %cond3A_1 {
      %broadcast_in_dim3A_39 = arith.constant 0xFF800000 : f32
      %broadcast_in_dim3A_40 = vector.broadcast %broadcast_in_dim3A_39 : f32 to vector<1x128xf32>
      %swap3A_41 = arith.constant 0 : index
      %swap3A_42 = arith.constant 0 : index
      %swap3A_43 = vector.load %arg4[%swap3A_41, %swap3A_42] : memref<1x128xf32, #tpu.memory_space<vmem>>, vector<1x128xf32>
      tpu.vector_store %arg4[%swap3A_41, %swap3A_42], %broadcast_in_dim3A_40 {strides = array<i32>} : memref<1x128xf32, #tpu.memory_space<vmem>>, vector<1x128xf32>,
      %broadcast_in_dim3A_44 = arith.constant 2147483647 : i32
      %broadcast_in_dim3A_45 = vector.broadcast %broadcast_in_dim3A_44 : i32 to vector<1x128xi32>
      %swap3A_46 = arith.constant 0 : index
      %swap3A_47 = arith.constant 0 : index
      %swap3A_48 = vector.load %arg5[%swap3A_46, %swap3A_47] : memref<1x128xi32, #tpu.memory_space<vmem>>, vector<1x128xi32>
      tpu.vector_store %arg5[%swap3A_46, %swap3A_47], %broadcast_in_dim3A_45 {strides = array<i32>} : memref<1x128xi32, #tpu.memory_space<vmem>>, vector<1x128xi32>,
      %broadcast_in_dim3A_49 = arith.constant 0 : i32
      %broadcast_in_dim3A_50 = vector.broadcast %broadcast_in_dim3A_49 : i32 to vector<1x128xi32>
      %swap3A_51 = arith.constant 0 : index
      %swap3A_52 = arith.constant 0 : index
      %swap3A_53 = vector.load %arg6[%swap3A_51, %swap3A_52] : memref<1x128xi32, #tpu.memory_space<vmem>>, vector<1x128xi32>
      tpu.vector_store %arg6[%swap3A_51, %swap3A_52], %broadcast_in_dim3A_50 {strides = array<i32>} : memref<1x128xi32, #tpu.memory_space<vmem>>, vector<1x128xi32>,
      %iota3A = tpu.iota {dimensions = array<i32: 0>} : vector<2000x128xi32>
      %swap3A_54 = arith.constant 0 : index
      %swap3A_55 = arith.constant 0 : index
      %swap3A_56 = vector.load %arg7[%swap3A_54, %swap3A_55] : memref<2000x128xi32, #tpu.memory_space<vmem>>, vector<2000x128xi32>
      tpu.vector_store %arg7[%swap3A_54, %swap3A_55], %iota3A {strides = array<i32>} : memref<2000x128xi32, #tpu.memory_space<vmem>>, vector<2000x128xi32>,
    } else {
    }
    %get3A = arith.constant 0 : index
    %get3A_2 = arith.constant 0 : index
    %get3A_3 = vector.load %arg1[%get3A, %get3A_2] : memref<2000x128xf32, #tpu.memory_space<vmem>>, vector<2000x128xf32>
    %reduce_max3A = arith.constant dense<0xFF800000> : vector<128xf32>
    %reduce_max3A_4 = vector.multi_reduction <maximumf>, %get3A_3, %reduce_max3A [0] : vector<2000x128xf32> to vector<128xf32>
    %broadcast_in_dim3A = vector.shape_cast %reduce_max3A_4 : vector<128xf32> to vector<1x128xf32>
    %eq3A_5 = vector.broadcast %broadcast_in_dim3A : vector<1x128xf32> to vector<2000x128xf32>
    %eq3A_6 = arith.cmpf oeq, %get3A_3, %eq3A_5 : vector<2000x128xf32>
    %get3A_7 = arith.constant 0 : index
    %get3A_8 = arith.constant 0 : index
    %get3A_9 = vector.load %arg7[%get3A_7, %get3A_8] : memref<2000x128xi32, #tpu.memory_space<vmem>>, vector<2000x128xi32>
    %jit3A = arith.constant 2147483647 : i32
    %broadcast_in_dim3A_10 = vector.broadcast %jit3A : i32 to vector<2000x128xi32>
    %select_n3A = arith.select %eq3A_6, %get3A_9, %broadcast_in_dim3A_10 : vector<2000x128xi1>, vector<2000x128xi32>
    %reduce_min3A = arith.constant dense<2147483647> : vector<128xi32>
    %reduce_min3A_11 = vector.multi_reduction <minsi>, %select_n3A, %reduce_min3A [0] : vector<2000x128xi32> to vector<128xi32>
    %broadcast_in_dim3A_12 = vector.shape_cast %reduce_min3A_11 : vector<128xi32> to vector<1x128xi32>
    %get3A_13 = arith.constant 0 : index
    %get3A_14 = arith.constant 0 : index
    %get3A_15 = vector.load %arg4[%get3A_13, %get3A_14] : memref<1x128xf32, #tpu.memory_space<vmem>>, vector<1x128xf32>
    %gt3A = arith.cmpf ogt, %broadcast_in_dim3A, %get3A_15 : vector<1x128xf32>
    %select_n3A_16 = arith.select %gt3A, %broadcast_in_dim3A, %get3A_15 : vector<1x128xi1>, vector<1x128xf32>
    %swap3A = arith.constant 0 : index
    %swap3A_17 = arith.constant 0 : index
    %swap3A_18 = vector.load %arg4[%swap3A, %swap3A_17] : memref<1x128xf32, #tpu.memory_space<vmem>>, vector<1x128xf32>
    tpu.vector_store %arg4[%swap3A, %swap3A_17], %select_n3A_16 {strides = array<i32>} : memref<1x128xf32, #tpu.memory_space<vmem>>, vector<1x128xf32>,
    %get3A_19 = arith.constant 0 : index
    %get3A_20 = arith.constant 0 : index
    %get3A_21 = vector.load %arg5[%get3A_19, %get3A_20] : memref<1x128xi32, #tpu.memory_space<vmem>>, vector<1x128xi32>
    %select_n3A_22 = arith.select %gt3A, %broadcast_in_dim3A_12, %get3A_21 : vector<1x128xi1>, vector<1x128xi32>
    %swap3A_23 = arith.constant 0 : index
    %swap3A_24 = arith.constant 0 : index
    %swap3A_25 = vector.load %arg5[%swap3A_23, %swap3A_24] : memref<1x128xi32, #tpu.memory_space<vmem>>, vector<1x128xi32>
    tpu.vector_store %arg5[%swap3A_23, %swap3A_24], %select_n3A_22 {strides = array<i32>} : memref<1x128xi32, #tpu.memory_space<vmem>>, vector<1x128xi32>,
    %broadcast_in_dim3A_26 = vector.broadcast %arg0 : i32 to vector<1x128xi32>
    %get3A_27 = arith.constant 0 : index
    %get3A_28 = arith.constant 0 : index
    %get3A_29 = vector.load %arg6[%get3A_27, %get3A_28] : memref<1x128xi32, #tpu.memory_space<vmem>>, vector<1x128xi32>
    %select_n3A_30 = arith.select %gt3A, %broadcast_in_dim3A_26, %get3A_29 : vector<1x128xi1>, vector<1x128xi32>
    %swap3A_31 = arith.constant 0 : index
    %swap3A_32 = arith.constant 0 : index
    %swap3A_33 = vector.load %arg6[%swap3A_31, %swap3A_32] : memref<1x128xi32, #tpu.memory_space<vmem>>, vector<1x128xi32>
    tpu.vector_store %arg6[%swap3A_31, %swap3A_32], %select_n3A_30 {strides = array<i32>} : memref<1x128xi32, #tpu.memory_space<vmem>>, vector<1x128xi32>,
    %eq3A_34 = arith.constant 19 : i32
    %eq3A_35 = arith.cmpi eq, %arg0, %eq3A_34 : i32
    %convert_element_type3A_36 = arith.extui %eq3A_35 : i1 to i32
    %cond3A_37 = arith.constant 0 : i32
    %cond3A_38 = arith.cmpi ne, %convert_element_type3A_36, %cond3A_37 : i32
    scf.if %cond3A_38 {
      %get3A_39 = arith.constant 0 : index
      %get3A_40 = arith.constant 0 : index
      %get3A_41 = vector.load %arg4[%get3A_39, %get3A_40] : memref<1x128xf32, #tpu.memory_space<vmem>>, vector<1x128xf32>
      %swap3A_42 = arith.constant 0 : index
      %swap3A_43 = arith.constant 0 : index
      %swap3A_44 = vector.load %arg2[%swap3A_42, %swap3A_43] : memref<1x128xf32, #tpu.memory_space<vmem>>, vector<1x128xf32>
      tpu.vector_store %arg2[%swap3A_42, %swap3A_43], %get3A_41 {strides = array<i32>} : memref<1x128xf32, #tpu.memory_space<vmem>>, vector<1x128xf32>,
      %get3A_45 = arith.constant 0 : index
      %get3A_46 = arith.constant 0 : index
      %get3A_47 = vector.load %arg6[%get3A_45, %get3A_46] : memref<1x128xi32, #tpu.memory_space<vmem>>, vector<1x128xi32>
      %mul3A = arith.constant 2000 : i32
      %mul3A_48 = vector.broadcast %mul3A : i32 to vector<1x128xi32>
      %mul3A_49 = arith.muli %get3A_47, %mul3A_48 : vector<1x128xi32>
      %get3A_50 = arith.constant 0 : index
      %get3A_51 = arith.constant 0 : index
      %get3A_52 = vector.load %arg5[%get3A_50, %get3A_51] : memref<1x128xi32, #tpu.memory_space<vmem>>, vector<1x128xi32>
      %add3A = arith.addi %mul3A_49, %get3A_52 : vector<1x128xi32>
      %swap3A_53 = arith.constant 0 : index
      %swap3A_54 = arith.constant 0 : index
      %swap3A_55 = vector.load %arg3[%swap3A_53, %swap3A_54] : memref<1x128xi32, #tpu.memory_space<vmem>>, vector<1x128xi32>
      tpu.vector_store %arg3[%swap3A_53, %swap3A_54], %add3A {strides = array<i32>} : memref<1x128xi32, #tpu.memory_space<vmem>>, vector<1x128xi32>,
    } else {
    }
    return
  }
  func.func @transform_0(%arg0: i32) -> (i32, i32) {
    %c0_i32 = arith.constant 0 : i32
    %c0_i32_0 = arith.constant 0 : i32
    return %arg0, %c0_i32 : i32, i32
  }
  func.func @transform_1(%arg0: i32) -> (i32, i32) {
    %c0_i32 = arith.constant 0 : i32
    %c0_i32_0 = arith.constant 0 : i32
    %c0_i32_1 = arith.constant 0 : i32
    return %c0_i32, %c0_i32_0 : i32, i32
  }
  func.func @transform_2(%arg0: i32) -> (i32, i32) {
    %c0_i32 = arith.constant 0 : i32
    %c0_i32_0 = arith.constant 0 : i32
    %c0_i32_1 = arith.constant 0 : i32
    return %c0_i32, %c0_i32_0 : i32, i32
  }
}

module attributes {stable_mosaic.version = 14 : i64} {
  func.func @_merge_body(%arg0: memref<32x128xf32, #tpu.memory_space<vmem>>, %arg1: memref<32x128xi32, #tpu.memory_space<vmem>>, %arg2: memref<1x128xf32, #tpu.memory_space<vmem>>, %arg3: memref<1x128xi32, #tpu.memory_space<vmem>>, %arg4: memref<128xi32, #tpu.memory_space<vmem>>, %arg5: memref<1xf32, #tpu.memory_space<smem>>) attributes {dimension_semantics = [], scalar_prefetch = 0 : i64, scratch_operands = 0 : i64, tpu.core_type = #tpu.core_type<tc>} {
    %get3A = arith.constant 0 : index
    %get3A_0 = arith.constant 0 : index
    %get3A_1 = vector.load %arg0[%get3A, %get3A_0] : memref<32x128xf32, #tpu.memory_space<vmem>>, vector<32x128xf32>
    %get3A_2 = arith.constant 0 : index
    %get3A_3 = arith.constant 0 : index
    %get3A_4 = vector.load %arg1[%get3A_2, %get3A_3] : memref<32x128xi32, #tpu.memory_space<vmem>>, vector<32x128xi32>
    %get3A_5 = arith.constant 0 : index
    %get3A_6 = arith.constant 0 : index
    %get3A_7 = vector.load %arg2[%get3A_5, %get3A_6] : memref<1x128xf32, #tpu.memory_space<vmem>>, vector<1x128xf32>
    %get3A_8 = arith.constant 0 : index
    %get3A_9 = arith.constant 0 : index
    %get3A_10 = vector.load %arg3[%get3A_8, %get3A_9] : memref<1x128xi32, #tpu.memory_space<vmem>>, vector<1x128xi32>
    %get3A_11 = arith.constant 0 : index
    %get3A_12 = vector.load %arg4[%get3A_11] : memref<128xi32, #tpu.memory_space<vmem>>, vector<128xi32>
    %reduce_max3A = arith.constant dense<0xFF800000> : vector<128xf32>
    %reduce_max3A_13 = vector.multi_reduction <maximumf>, %get3A_1, %reduce_max3A [0] : vector<32x128xf32> to vector<128xf32>
    %squeeze3A = vector.shape_cast %get3A_7 : vector<1x128xf32> to vector<128xf32>
    %max3A = arith.maximumf %reduce_max3A_13, %squeeze3A : vector<128xf32>
    %broadcast_in_dim3A = vector.shape_cast %max3A : vector<128xf32> to vector<1x128xf32>
    %eq3A = vector.broadcast %broadcast_in_dim3A : vector<1x128xf32> to vector<32x128xf32>
    %eq3A_14 = arith.cmpf oeq, %get3A_1, %eq3A : vector<32x128xf32>
    %jit3A = arith.constant 2147483647 : i32
    %broadcast_in_dim3A_15 = vector.broadcast %jit3A : i32 to vector<32x128xi32>
    %select_n3A = arith.select %eq3A_14, %get3A_4, %broadcast_in_dim3A_15 : vector<32x128xi1>, vector<32x128xi32>
    %reduce_min3A = arith.constant dense<2147483647> : vector<128xi32>
    %reduce_min3A_16 = vector.multi_reduction <minsi>, %select_n3A, %reduce_min3A [0] : vector<32x128xi32> to vector<128xi32>
    %squeeze3A_17 = vector.shape_cast %get3A_7 : vector<1x128xf32> to vector<128xf32>
    %eq3A_18 = arith.cmpf oeq, %squeeze3A_17, %max3A : vector<128xf32>
    %squeeze3A_19 = vector.shape_cast %get3A_10 : vector<1x128xi32> to vector<128xi32>
    %jit3A_20 = arith.constant 2147483647 : i32
    %broadcast_in_dim3A_21 = vector.broadcast %jit3A_20 : i32 to vector<128xi32>
    %select_n3A_22 = arith.select %eq3A_18, %squeeze3A_19, %broadcast_in_dim3A_21 : vector<128xi1>, vector<128xi32>
    %min3A = arith.minsi %reduce_min3A_16, %select_n3A_22 : vector<128xi32>
    %eq3A_23 = arith.cmpi eq, %min3A, %get3A_12 : vector<128xi32>
    %jit3A_24 = arith.constant 1.000000e+00 : f32
    %jit3A_25 = arith.constant 0.000000e+00 : f32
    %broadcast_in_dim3A_26 = vector.broadcast %jit3A_24 : f32 to vector<128xf32>
    %broadcast_in_dim3A_27 = vector.broadcast %jit3A_25 : f32 to vector<128xf32>
    %select_n3A_28 = arith.select %eq3A_23, %broadcast_in_dim3A_26, %broadcast_in_dim3A_27 : vector<128xi1>, vector<128xf32>
    %reduce_sum3A = vector.shape_cast %select_n3A_28 : vector<128xf32> to vector<1x128xf32>
    %reduce_sum3A_29 = arith.constant dense<0.000000e+00> : vector<1xf32>
    %reduce_sum3A_30 = vector.multi_reduction <add>, %reduce_sum3A, %reduce_sum3A_29 [1] : vector<1x128xf32> to vector<1xf32>
    %reduce_sum3A_31 = vector.shape_cast %reduce_sum3A_30 : vector<1xf32> to vector<1x1xf32>
    %reduce_sum3A_32 = vector.extract %reduce_sum3A_31[0, 0] : f32 from vector<1x1xf32>
    %mul3A = arith.constant 7.812500e-01 : f32
    %mul3A_33 = arith.mulf %reduce_sum3A_32, %mul3A : f32
    %swap3A = arith.constant 0 : index
    %swap3A_34 = memref.load %arg5[%swap3A] : memref<1xf32, #tpu.memory_space<smem>>
    memref.store %mul3A_33, %arg5[%swap3A] : memref<1xf32, #tpu.memory_space<smem>>
    return
  }
}

</mosaic_0001>

<sc_bundles>
// kernel: kernel.5.cloned.1.call-start
scs
__scs_entry_jumppad:
0x0: {  	(pc) =	sbr.rel $0x88, $3  }
0x1: {  	(tag) =	ssettag $0x0;
	lr =	simm.s32 $0x1  }
0x2: {  	[smem:$0x3F9F] =	sst lr;
	_ =	strace $0xD0000000  }
0x3: {  	_ = 	snop  }
0x4: {  	_ = 	snop  }
0x5: {  	_ = 	snop  }
0x6: {  	_ = 	snop  }
0x7: {  	_ = 	snop  }
__scs_overlays_trampoline_lowered:
0x8: {  	[smem:$0x3FAE] =	sst s0  }
0x9: {  	[smem:$0x3FAF] =	sst s1  }
0xa: {  	[smem:$0x3FB0] =	sst s2  }
0xb: {  	[smem:$0x3FB1] =	sst s3  }
0xc: {  	[smem:$0x3FB2] =	sst s4  }
0xd: {  	[smem:$0x3FB3] =	sst s5  }
0xe: {  	[smem:$0x3FB4] =	sst s6  }
0xf: {  	[smem:$0x3FB5] =	sst s7  }
0x10: {  	[smem:$0x3FB6] =	sst s8  }
0x11: {  	[smem:$0x3FB7] =	sst s9;
	s0 =	simm.s32 @!p0 $0x0  }
0x12: {  	s1 =	sld [smem:$0x3F9D];
	s0 =	simm.s32 @p0 $0x1  }
0x13: {  	[smem:$0x3FB8] =	sst s0;
	s0 =	simm.s32 @!p1 $0x0  }
0x14: {  	s2 =	sld [smem:$0x3F9C];
	s0 =	simm.s32 @p1 $0x1  }
0x15: {  	[smem:$0x3FB9] =	sst s0;
	s0 =	simm.s32 @!p2 $0x0  }
0x16: {  	s3 =	sld [smem:$0x3FDB];
	s0 =	simm.s32 @p2 $0x1  }
0x17: {  	s4 =	simm.s32 $0x1BF5;
	[smem:$0x3FBB] =	sst s0  }
0x18: {  	s0 =	sld [smem:$0x3F9E];
	_ =	swait.ge [sflag:s4], $0x0  }
0x19: {  	s7 =	sld [smem:$0x3F9F]  }
0x1a: {  	s8 =	sadd.s32 $0xFFFFE003, lr  }
0x1b: {  	s9 =	sadd.s32 $0xFFFFFEF7, lr;
	s5 =	simm.s32 $0xFFFFFFFF;
	p2 =	slt.u32 s8, $0xFFFFF086  }
0x1c: {  	p1 =	slt.u32 s9, $0xF7A;
	s5 =	simm.s32 @!p2 $0x0  }
0x1d: {  	s5 =	simm.s32 @p1 $0x1;
	p0 =	seq.s32 s7, s2  }
0x1e: {  	s7 =	smul.u32 @!p0 $0xF7A, s2;
	p2 =	seq.s32 @!p0 s5, $0x0  }
0x1f: {  	s9 =	smul.u32 $0xF7A, s1;
	s8 =	simm.s32 @!p0 $0x1BF5;
	p2 =	por !p2, p0  }
0x20: {  	[sflag:s8] =	ssyncset.s32 @!p0 $0xFFFFF086;
	s6 =	sadd.s32 @!p0 s3, s7;
	s7 =	simm.s32 @!p0 $0x108  }
0x21: {  	s3 =	sadd.s32 s3, s9;
	s6 =	sadd.s32 @!p0 $0x88, s6;
	s7 =	simm.s32 @p2 $0x1082  }
0x22: {  	[simem:s7], [sflag:s8] =	dma.local @!p0 [hbm:s6], $0xF7A  }
0x23: {  	s9 =	sor.u32 $0xD0000000, s2;
	s6 =	simm.s32 $0x108;
	_ =	swait.ge @!p0 [sflag:s8], $0x0  }
0x24: {  	s3 =	sadd.s32 $0x88, s3;
	s6 =	simm.s32 @!p1 $0x1082;
	[sflag:s4] =	ssyncset.s32 $0xFFFFF086  }
0x25: {  	[simem:s6], [sflag:s4] =	dma.local [hbm:s3], $0xF7A  }
0x26: {  	[smem:$0x3F9F] =	sst s1;
	(tag) =	ssettag s2;
	_ =	strace s9  }
0x27: {  	s1 =	sld [smem:$0x3FAF]  }
0x28: {  	s2 =	sld [smem:$0x3FB0]  }
0x29: {  	s4 =	sld [smem:$0x3FB2]  }
0x2a: {  	p0 =	seq.s32 s5, $0x0;
	s5 =	sld [smem:$0x3FB3]  }
0x2b: {  	s6 =	sld [smem:$0x3FB4]  }
0x2c: {  	s7 =	sld [smem:$0x3FB5]  }
0x2d: {  	s3 =	simm.s32 $0x108;
	s8 =	sld [smem:$0x3FB6]  }
0x2e: {  	s3 =	simm.s32 @!p0 $0x1082;
	s9 =	sld [smem:$0x3FB7]  }
0x2f: {  	lr =	sadd.s32 s0, s3;
	s0 =	sld [smem:$0x3FAE]  }
0x30: {  	s3 =	sld [smem:$0x3FB1]  }
0x31: {  	[smem:$0x3FBA] =	sst s10  }
0x32: {  	s10 =	sld [smem:$0x3FB8];
	_ =	sdelay $0x3  }
0x33: {  	p0 =	seq.s32 s10, $0x1;
	s10 =	sld [smem:$0x3FBA];
	_ =	sdelay $0x3  }
0x34: {  	[smem:$0x3FBA] =	sst s10  }
0x35: {  	s10 =	sld [smem:$0x3FB9];
	_ =	sdelay $0x3  }
0x36: {  	p1 =	seq.s32 s10, $0x1;
	s10 =	sld [smem:$0x3FBA];
	_ =	sdelay $0x3  }
0x37: {  	[smem:$0x3FBA] =	sst s10  }
0x38: {  	s10 =	sld [smem:$0x3FBB]  }
0x39: {  	_ = 	snop;
	(pc) =	sbr.ind lr, $3  }
0x3a: {  	_ = 	snop  }
0x3b: {  	_ = 	snop  }
0x3c: {  	p2 =	seq.s32 s10, $0x1;
	s10 =	sld [smem:$0x3FBA]  }
0x3d: {  	_ =	shalt  }
0x3e: {  	_ =	shalt  }
0x3f: {  	_ =	shalt  }
0x40: {  	_ =	shalt  }
0x41: {  	_ =	shalt  }
0x42: {  	_ =	shalt  }
0x43: {  	_ =	shalt  }
0x44: {  	_ =	shalt  }
0x45: {  	_ =	shalt  }
0x46: {  	_ =	shalt  }
0x47: {  	_ =	shalt  }
0x48: {  	_ =	shalt  }
0x49: {  	_ =	shalt  }
0x4a: {  	_ =	shalt  }
0x4b: {  	_ =	shalt  }
0x4c: {  	_ =	shalt  }
0x4d: {  	_ =	shalt  }
0x4e: {  	_ =	shalt  }
0x4f: {  	_ =	shalt  }
0x50: {  	_ =	shalt  }
0x51: {  	_ =	shalt  }
0x52: {  	_ =	shalt  }
0x53: {  	_ =	shalt  }
0x54: {  	_ =	shalt  }
0x55: {  	_ =	shalt  }
0x56: {  	_ =	shalt  }
0x57: {  	_ =	shalt  }
0x58: {  	_ =	shalt  }
0x59: {  	_ =	shalt  }
0x5a: {  	_ =	shalt  }
0x5b: {  	_ =	shalt  }
0x5c: {  	_ =	shalt  }
0x5d: {  	_ =	shalt  }
0x5e: {  	_ =	shalt  }
0x5f: {  	_ =	shalt  }
0x60: {  	_ =	shalt  }
0x61: {  	_ =	shalt  }
0x62: {  	_ =	shalt  }
0x63: {  	_ =	shalt  }
0x64: {  	_ =	shalt  }
0x65: {  	_ =	shalt  }
0x66: {  	_ =	shalt  }
0x67: {  	_ =	shalt  }
0x68: {  	_ =	shalt  }
0x69: {  	_ =	shalt  }
0x6a: {  	_ =	shalt  }
0x6b: {  	_ =	shalt  }
0x6c: {  	_ =	shalt  }
0x6d: {  	_ =	shalt  }
0x6e: {  	_ =	shalt  }
0x6f: {  	_ =	shalt  }
0x70: {  	_ =	shalt  }
0x71: {  	_ =	shalt  }
0x72: {  	_ =	shalt  }
0x73: {  	_ =	shalt  }
0x74: {  	_ =	shalt  }
0x75: {  	_ =	shalt  }
0x76: {  	_ =	shalt  }
0x77: {  	_ =	shalt  }
0x78: {  	_ =	shalt  }
0x79: {  	_ =	shalt  }
0x7a: {  	_ =	shalt  }
0x7b: {  	_ =	shalt  }
0x7c: {  	_ =	shalt  }
0x7d: {  	_ =	shalt  }
0x7e: {  	_ =	shalt  }
0x7f: {  	_ =	shalt  }
0x80: {  	_ =	shalt  }
0x81: {  	_ =	shalt  }
0x82: {  	_ =	shalt  }
0x83: {  	_ =	shalt  }
0x84: {  	_ =	shalt  }
0x85: {  	_ =	shalt  }
0x86: {  	_ =	shalt  }
0x87: {  	_ =	shalt  }
.Lfunc_end0:
.L_simem_size_0:
called_computation_lowered:
.L_overlay_start_0:
0x88: {  	s2 =	sld [smem:$0x3FD9]  }
0x89: {  	s3 =	sld [smem:$0x3FFE];
	_ =	sdelay $0x1  }
0x8a: {  	s1 =	srdreg.scid  }
0x8b: {  	s0 =	sand.u32 $0x1, s1  }
0x8c: {  	s17 =	sshll.u32 s0, $0xA;
	s2 =	sadd.s32 s3, s2  }
0x8d: {  	s2 =	sadd.s32 s2, s17  }
0x8e: {  	[smem:$0x3FC6] =	sst s2  }
0x8f: {  	_ = 	snop  }
0x90: {  	s2 =	sld [smem:$0x3FC9];
	(tm) =	ssettm $0x1  }
0x91: {  	s18 =	sld [smem:$0x3FFB];
	_ =	sdelay $0x3  }
0x92: {  	_ =	strace s18  }
0x93: {  	s3 =	sld [smem:$0x3FFC];
	_ =	sdelay $0x3  }
0x94: {  	_ =	strace s3  }
0x95: {  	s3 =	sld [smem:$0x3FFD];
	_ =	sdelay $0x3  }
0x96: {  	_ =	strace s3  }
0x97: {  	_ =	strace $0x8FFFFFFF  }
0x98: {  	s19 =	sld [smem:$0x3FDB];
	_ =	sdelay $0x1  }
0x99: {  	s4 =	simm.s32 $_scs_section_size  }
0x9a: {  	s5 =	simm.s32 $_size__tile_overlayer_lowered;
	s6 =	simm.s32 $_tile_overlayer_lowered  }
0x9b: {  	s22 =	simm.s32 $0x1BFF;
	s21 =	sshll.u32 s6, $0x1;
	s3 =	sadd.s32 s4, s19  }
0x9c: {  	s7 =	simm.s32 $0x0;
	s20 =	sshll.u32 s5, $0x1;
	s5 =	sadd.s32 s21, s3  }
0x9d: {  	[timem:s7], [sflag:s22] =	dma.local [hbm:s5], s20  }
0x9e: {  	_ =	swait.ge [sflag:s22], s20  }
0x9f: {  	s4 =	ssub.s32 $0x0, s20;
	[sflag:s22] =	ssyncset.done $0x0  }
0xa0: {  	[sflag:s22] =	ssyncadd.s32 s4;
	_ =	sdelay $0x1  }
0xa1: {  	s23 =	simm.s32 $0x1B8B  }
0xa2: {  	_ =	swait.ge [sflag:s23], $0x1  }
0xa3: {  	[sflag:s23] =	ssyncset.done $0x0  }
0xa4: {  	s25 =	simm.s32 $0x1B8E;
	s24 =	sld [smem:$0x3FFE];
	[sflag:s23] =	ssyncadd.s32 $0xFFFFFFFF  }
0xa5: {  	s26 =	simm.s32 $execute0_lowered;
	[smem:$0x3FD2] =	sst s25  }
0xa6: {  	s5 =	sshll.u32 s26, $0x1;
	_ =	strace $0x80000046;
	[dreg:$0x1] =	wrdreg $0xFFFFFFFF  }
0xa7: {  	s28 =	simm.s32 $_size_execute0_lowered;
	s3 =	sadd.s32 s3, s5;
	[dreg:$0x0] =	wrdreg $0x0  }
0xa8: {  	s5 =	sshll.u32 s28, $0x1;
	[dreg:$0x2] =	wrdreg s3  }
0xa9: {  	[dreg:$0x3] =	wrdreg s5  }
0xaa: {  	[dreg:$0x4] =	wrdreg $0xC0  }
0xab: {  	_ =	task [dreg:s7], $0x5FFFF  }
0xac: {  	[dreg:$0x1] =	wrdreg $0xFFFFFFFF  }
0xad: {  	[dreg:$0x0] =	wrdreg $0x60  }
0xae: {  	[dreg:$0x2] =	wrdreg s2  }
0xaf: {  	[dreg:$0x3] =	wrdreg s24  }
0xb0: {  	[dreg:$0x4] =	wrdreg $0x9  }
0xb1: {  	_ =	task.clear_ibuf [dreg:s7], $0x5FFFF;
	_ =	strace $0x90000046  }
0xb2: {  	s29 =	simm.s32 $0x9;
	_ =	strace $0x80000048  }
0xb3: {  	_ =	swait.ge [sflag:s29], $0x1  }
0xb4: {  	[sflag:s29] =	ssyncadd.s32 $0xFFFFFFFF  }
0xb5: {  	_ =	strace $0x90000048  }
0xb6: {  	_ =	sfence  }
0xb7: {  	s30 =	sld [smem:$0x0];
	_ =	sdelay $0x2  }
0xb8: {  	s31 =	sshll.u32 s1, $0xD;
	s1 =	sshrl.u32 s1, $0x2  }
0xb9: {  	s3 =	sand.u32 $0x4000, s31;
	s1 =	sadd.s32 s1, s30  }
0xba: {  	s0 =	sor.u32 s3, s0;
	s1 =	sshll.u32 s1, $0x11  }
0xbb: {  	s0 =	sor.u32 s1, s0  }
0xbc: {  	s0 =	sadd.s32 $0x8F2B, s0  }
0xbd: {  	[sflag:s0] =	ssyncadd.remote.s32 $0x1  }
0xbe: {  	_ =	sfence.sel $0xFFFF  }
0xbf: {  	[dreg:$0x0] =	wrdreg $0xFFFFFFFF;
	(pc) =	sbr.abs _section_cstart, $3  }
0xc0: {  	[dreg:$0x1] =	wrdreg $0xFFFFFFFF  }
0xc1: {  	_ =	task.clear_ibuf [dreg:s7], $0x2FFFF;
	_ =	strace $0x9FFFFFFF  }
0xc2: {  	(tm) =	ssettm $0x7FFFFFFF  }
0xc3: {  	_ =	shalt  }
tec
execute0_lowered:
.L_overlay_start_1:
0x0: {  	(tag) =	ssettag $0x1  }
0x1: {  	s1 =	srdreg.scid;
	s3 =	rddreg [dreg:$0x0]  }
0x2: {  	s0 =	stileid.u32;
	s5 =	rddreg [dreg:$0x1]  }
0x3: {  	s2 =	simm.s32 $0x0;
	s13 =	simm.s32 $0x1;
	s14 =	simm.s32 $0x2  }
0x4: {  	s15 =	simm.s32 $0x17800;
	s16 =	simm.s32 $0x3;
	s17 =	simm.s32 $0x17880  }
0x5: {  	s4 =	sand.u32 $0x1, s1;
	s30 =	sshll.u32 s0, $0x1;
	s9 =	smul.u32 $0x38C2, s0  }
0x6: {  	s1 =	rddreg [dreg:$0x2];
	s6 =	sor.u32 s4, s30;
	s11 =	smul.u32 $0x1C61, s4  }
0x7: {  	s18 =	simm.s32 $0x0;
	[smem:$0x7FF] =	sst s2;
	s7 =	smul.u32 $0x1C61, s6  }
0x8: {  	_ =	strace $0x80000047;
	s8 =	ssub.s32 $0x2, s4;
	s6 =	sshll.u32 s6, $0x4  }
0x9: {  	s10 =	sshrl.u32 s8, $0x1;
	s31 =	sadd.s32 s11, s9;
	s7 =	smulhi.u32 $0x8421085, s7  }
0xa: {  	s12 =	sadd.s32 s6, s5;
	s10 =	ssub.s32 s8, s10;
	s11 =	smulhi.u32 $0x8421085, s31  }
0xb: {  	s8 =	sadd.s32 $0x1000, s12;
	s9 =	sadd.s32 $0x1200, s12;
	s7 =	sshll.u32 s7, $0x7  }
0xc: {  	s10 =	smax.u32 s10, $0x1;
	s12 =	simm.s32 $0xBC00;
	s7 =	sadd.s32 s3, s7  }
0xd: {  	s11 =	sshll.u32 s11, $0x3;
	s3 =	sadd.s32 $0x9C400, s7;
	s4 =	sadd.s32 $0x9DB80, s7  }
0xe: {  	s5 =	sadd.s32 $0x9F300, s7;
	s6 =	sadd.s32 $0xA0A80, s7;
	s7 =	sadd.s32 $0xA2200, s7  }
.LBB2_1:
0xf: {  	[tilespmem:s2], [sflag:$0x1] =	stream.linear.gather [hbm4b:s3+s2], $0xBC00, $0x38;
	[tilespmem:$0x17900] =	vst v63  }
0x10: {  	_ = 	snop  }
0x11: {  	[tilespmem:s12], [sflag:$0x2] =	stream.linear.gather [hbm4b:s4+s2], $0xBC00, $0x38;
	[tilespmem:$0x17900] =	vst v63  }
0x12: {  	_ =	swait.ge [sflag:s13], $0xBC00  }
0x13: {  	[sflag:s13] =	ssyncset.done $0x0  }
0x14: {  	s22 =	simm.s32 $0x80;
	[sflag:s13] =	ssyncadd.s32 $0xFFFF4400  }
0x15: {  	v5 =	vld [tilespmem:s22+$0x0]  }
0x16: {  	v0 =	vld [tilespmem:s22+$0xFFFFFF80]  }
0x17: {  	v8 =	vld [tilespmem:s22+$0xFFFFFF90]  }
0x18: {  	v13 =	vld [tilespmem:s22+$0xFFFFFFB0]  }
0x19: {  	v15 =	vld [tilespmem:s22+$0xFFFFFFC0]  }
0x1a: {  	v6 =	vld [tilespmem:s22+$0x10]  }
0x1b: {  	v2 =	vld [tilespmem:s22+$0x20]  }
0x1c: {  	v3 =	vimm.f32 $-Inf;
	v1 =	vimm.s32 $0x0;
	v11 =	vld [tilespmem:s22+$0xFFFFFFA0]  }
0x1d: {  	s20 =	sadd.s32 $0xFFFFFFFE, s11;
	v17 =	vimm.s32 $0x0;
	v4 =	vld [tilespmem:s22+$0x30];
	vm1 =	vgt.f32 v0, v3;
	vm0 =	vgt.f32 v8, v3  }
0x1e: {  	s19 =	sadd.s32 $0x9C42, s20;
	v7 =	vld [tilespmem:s22+$0x40];
	vm2 =	vgt.f32 v13, v3;
	vm3 =	vgt.f32 v15, v3;
	v9 =	vsel vm1, v0, v3  }
0x1f: {  	v12 =	vld [tilespmem:s22+$0x50];
	v10 =	vsel vm0, v8, v3;
	v16 =	vsel vm0, s19, v1;
	v0 =	vsel vm1, s19, v1  }
0x20: {  	v14 =	vld [tilespmem:s22+$0xFFFFFFD0];
	v23 =	vsel vm2, v13, v3;
	v24 =	vsel vm3, v15, v3;
	v13 =	vimm.f32 $-Inf  }
0x21: {  	s20 =	sadd.s32 $0x9C43, s20;
	v18 =	vld [tilespmem:s22+$0xFFFFFFE0];
	v15 =	vimm.s32 $0x0;
	vm0 =	vgt.f32 v5, v9;
	vm1 =	vgt.f32 v6, v10  }
0x22: {  	v20 =	vld [tilespmem:s22+$0xFFFFFFF0];
	v8 =	vsel vm0, v5, v9;
	v9 =	vsel vm1, v6, v10;
	v10 =	vsel vm1, s20, v16  }
0x23: {  	v19 =	vld [tilespmem:s22+$0x60];
	vm1 =	vgt.f32 v11, v3;
	v16 =	vimm.s32 $0x0;
	v5 =	vimm.s32 $0x0  }
0x24: {  	s21 =	simm.s32 $0x0;
	v21 =	vld [tilespmem:s22+$0x70];
	s22 =	simm.s32 $0x180;
	v6 =	vimm.s32 $0x0;
	v22 =	vsel vm1, v11, v3;
	v11 =	vimm.f32 $-Inf  }
.LBB2_2:
0x25: {  	v25 =	vld [tilespmem:s22+$0x0];
	vm4 =	vgt.f32 v2, v22;
	vm5 =	vgt.f32 v4, v23;
	vm6 =	vgt.f32 v7, v24  }
0x26: {  	v26 =	vld [tilespmem:s22+$0x10];
	v22 =	vsel vm4, v2, v22;
	v23 =	vsel vm5, v4, v23;
	v24 =	vsel vm6, v7, v24  }
0x27: {  	vm7 =	vgt.f32 v14, v3;
	vm8 =	vgt.f32 v18, v11;
	v2 =	vld [tilespmem:s22+$0x20];
	vm9 =	vgt.f32 v20, v13  }
0x28: {  	v3 =	vsel vm7, v14, v3;
	v7 =	vsel vm8, v18, v11;
	v4 =	vld [tilespmem:s22+$0x30];
	v13 =	vsel vm9, v20, v13  }
0x29: {  	vm10 =	vgt.f32 v12, v3;
	vm11 =	vgt.f32 v19, v7;
	v14 =	vld [tilespmem:s22+$0xFFFFFF80];
	vm12 =	vgt.f32 v21, v13  }
0x2a: {  	v3 =	vsel vm10, v12, v3;
	v11 =	vsel vm11, v19, v7;
	v18 =	vld [tilespmem:s22+$0xFFFFFF90];
	v13 =	vsel vm12, v21, v13  }
0x2b: {  	v1 =	vsel vm7, s19, v1;
	v12 =	vsel vm8, s19, v16;
	v17 =	vsel vm9, s19, v17;
	v7 =	vld [tilespmem:s22+$0x40]  }
0x2c: {  	v1 =	vsel vm10, s20, v1;
	v16 =	vsel vm11, s20, v12;
	v17 =	vsel vm12, s20, v17;
	v21 =	vld [tilespmem:s22+$0xFFFFFFA0]  }
0x2d: {  	v5 =	vsel vm1, s19, v5;
	v6 =	vsel vm2, s19, v6;
	v12 =	vsel vm3, s19, v15;
	v27 =	vld [tilespmem:s22+$0xFFFFFFB0]  }
0x2e: {  	s23 =	sadd.s32 s21, s11;
	s21 =	sadd.s32 $0x2, s21;
	v5 =	vsel vm4, s20, v5;
	v6 =	vsel vm5, s20, v6;
	v15 =	vsel vm6, s20, v12;
	v28 =	vld [tilespmem:s22+$0xFFFFFFC0]  }
0x2f: {  	v0 =	vsel vm0, s20, v0;
	p0 =	slt.u32 s21, $0x176;
	s19 =	sadd.s32 $0x9C42, s23;
	vm1 =	vgt.f32 v14, v8;
	vm2 =	vgt.f32 v18, v9;
	v12 =	vld [tilespmem:s22+$0x50]  }
.Ltmp0:
0x30: {  	v8 =	vsel vm1, v14, v8;
	v9 =	vsel vm2, v18, v9;
	v10 =	vsel vm2, s19, v10;
	v14 =	vld [tilespmem:s22+$0xFFFFFFD0];
	(pc) =	sbr.rel @p0 .LBB2_2-.Ltmp0, $4  }
0x31: {  	s20 =	sadd.s32 $0x9C43, s23;
	v0 =	vsel vm1, s19, v0;
	vm0 =	vgt.f32 v25, v8;
	v18 =	vld [tilespmem:s22+$0xFFFFFFE0];
	vm1 =	vgt.f32 v26, v9  }
0x32: {  	v8 =	vsel vm0, v25, v8;
	v20 =	vld [tilespmem:s22+$0xFFFFFFF0];
	v9 =	vsel vm1, v26, v9;
	v10 =	vsel vm1, s20, v10  }
0x33: {  	vm1 =	vgt.f32 v21, v22;
	vm2 =	vgt.f32 v27, v23;
	vm3 =	vgt.f32 v28, v24;
	v19 =	vld [tilespmem:s22+$0x60]  }
0x34: {  	v22 =	vsel vm1, v21, v22;
	v23 =	vsel vm2, v27, v23;
	v24 =	vsel vm3, v28, v24;
	v21 =	vld [tilespmem:s22+$0x70];
	s22 =	sadd.s32 $0x100, s22  }
0x35: {  	[tilespmem:s2], [sflag:$0x1] =	stream.linear.gather [hbm4b:s5+s2], $0xBC00, $0x38;
	[tilespmem:$0x17900] =	vst v63  }
0x36: {  	_ =	swait.ge [sflag:s14], $0xBC00  }
0x37: {  	[sflag:s14] =	ssyncset.done $0x0  }
0x38: {  	s22 =	simm.s32 $0xBC80;
	[sflag:s14] =	ssyncadd.s32 $0xFFFF4400  }
0x39: {  	vm4 =	vgt.f32 v2, v22;
	vm5 =	vgt.f32 v4, v23;
	vm6 =	vgt.f32 v7, v24;
	v25 =	vld [tilespmem:s22+$0x0]  }
0x3a: {  	vm7 =	vgt.f32 v14, v3;
	v22 =	vsel vm4, v2, v22;
	v23 =	vsel vm5, v4, v23;
	v26 =	vld [tilespmem:s22+$0x10]  }
0x3b: {  	v24 =	vsel vm6, v7, v24;
	vm8 =	vgt.f32 v18, v11;
	v2 =	vsel vm7, v14, v3;
	v7 =	vld [tilespmem:s22+$0x20]  }
0x3c: {  	v1 =	vsel vm7, s19, v1;
	vm9 =	vgt.f32 v20, v13;
	v3 =	vsel vm8, v18, v11;
	v11 =	vld [tilespmem:s22+$0x30]  }
0x3d: {  	vm10 =	vgt.f32 v12, v2;
	v4 =	vsel vm9, v20, v13;
	vm11 =	vgt.f32 v19, v3;
	v18 =	vld [tilespmem:s22+$0xFFFFFF80]  }
0x3e: {  	v12 =	vsel vm10, v12, v2;
	v2 =	vsel vm8, s19, v16;
	v13 =	vsel vm11, v19, v3;
	v19 =	vld [tilespmem:s22+$0xFFFFFF90]  }
0x3f: {  	v1 =	vsel vm10, s20, v1;
	vm12 =	vgt.f32 v21, v4;
	v3 =	vsel vm9, s19, v17;
	v27 =	vld [tilespmem:s22+$0xFFFFFFB0]  }
0x40: {  	v2 =	vsel vm11, s20, v2;
	v28 =	vld [tilespmem:s22+$0xFFFFFFC0];
	v14 =	vsel vm12, v21, v4;
	v3 =	vsel vm12, s20, v3  }
0x41: {  	v17 =	vld [tilespmem:s22+$0x40];
	v4 =	vsel vm1, s19, v5;
	v5 =	vsel vm2, s19, v6;
	v6 =	vsel vm3, s19, v15  }
0x42: {  	v21 =	vld [tilespmem:s22+$0xFFFFFFA0];
	v15 =	vsel vm0, s20, v0;
	v4 =	vsel vm4, s20, v4;
	v5 =	vsel vm5, s20, v5  }
0x43: {  	s21 =	sadd.s32 $0xFFFFFFFE, s11;
	v0 =	vld [tilespmem:s22+$0x50];
	v6 =	vsel vm6, s20, v6;
	vm0 =	vgt.f32 v18, v8;
	vm1 =	vgt.f32 v19, v9  }
0x44: {  	s19 =	sadd.s32 $0x9DBA, s21;
	vm2 =	vgt.f32 v27, v23;
	v16 =	vsel vm0, v18, v8;
	v20 =	vsel vm1, v19, v9;
	v9 =	vld [tilespmem:s22+$0xFFFFFFD0]  }
0x45: {  	vm3 =	vgt.f32 v28, v24;
	v8 =	vsel vm0, s19, v15;
	v18 =	vld [tilespmem:s22+$0xFFFFFFE0];
	vm0 =	vgt.f32 v25, v16  }
0x46: {  	s20 =	sadd.s32 $0x9DBB, s21;
	v29 =	vsel vm1, s19, v10;
	v19 =	vld [tilespmem:s22+$0xFFFFFFF0];
	vm1 =	vgt.f32 v26, v20;
	v10 =	vsel vm0, v25, v16  }
0x47: {  	v15 =	vsel vm1, v26, v20;
	v16 =	vsel vm1, s20, v29;
	vm1 =	vgt.f32 v21, v22;
	v20 =	vld [tilespmem:s22+$0x60]  }
0x48: {  	s21 =	simm.s32 $0x0;
	v23 =	vsel vm2, v27, v23;
	v24 =	vsel vm3, v28, v24;
	v22 =	vsel vm1, v21, v22;
	v21 =	vld [tilespmem:s22+$0x70];
	s22 =	simm.s32 $0xBD80  }
.LBB2_4:
0x49: {  	v25 =	vld [tilespmem:s22+$0x0];
	vm4 =	vgt.f32 v7, v22;
	vm5 =	vgt.f32 v11, v23;
	vm6 =	vgt.f32 v17, v24  }
0x4a: {  	v26 =	vld [tilespmem:s22+$0x10];
	v22 =	vsel vm4, v7, v22;
	v23 =	vsel vm5, v11, v23;
	v24 =	vsel vm6, v17, v24  }
0x4b: {  	vm7 =	vgt.f32 v9, v12;
	vm8 =	vgt.f32 v18, v13;
	v7 =	vld [tilespmem:s22+$0x20];
	vm9 =	vgt.f32 v19, v14  }
0x4c: {  	v9 =	vsel vm7, v9, v12;
	v13 =	vsel vm8, v18, v13;
	v11 =	vld [tilespmem:s22+$0x30];
	v14 =	vsel vm9, v19, v14  }
0x4d: {  	vm10 =	vgt.f32 v0, v9;
	vm11 =	vgt.f32 v20, v13;
	v18 =	vld [tilespmem:s22+$0xFFFFFF80];
	vm12 =	vgt.f32 v21, v14  }
0x4e: {  	v12 =	vsel vm10, v0, v9;
	v13 =	vsel vm11, v20, v13;
	v19 =	vld [tilespmem:s22+$0xFFFFFF90];
	v14 =	vsel vm12, v21, v14  }
0x4f: {  	v2 =	vsel vm8, s19, v2;
	v0 =	vsel vm7, s19, v1;
	v3 =	vsel vm9, s19, v3;
	v17 =	vld [tilespmem:s22+$0x40]  }
0x50: {  	v1 =	vsel vm10, s20, v0;
	v2 =	vsel vm11, s20, v2;
	v3 =	vsel vm12, s20, v3;
	v21 =	vld [tilespmem:s22+$0xFFFFFFA0]  }
0x51: {  	v5 =	vsel vm2, s19, v5;
	v6 =	vsel vm3, s19, v6;
	v0 =	vsel vm1, s19, v4;
	v27 =	vld [tilespmem:s22+$0xFFFFFFB0]  }
0x52: {  	s23 =	sadd.s32 s21, s11;
	s21 =	sadd.s32 $0x2, s21;
	v5 =	vsel vm5, s20, v5;
	v6 =	vsel vm6, s20, v6;
	v4 =	vsel vm4, s20, v0;
	v28 =	vld [tilespmem:s22+$0xFFFFFFC0]  }
0x53: {  	v8 =	vsel vm0, s20, v8;
	p0 =	slt.u32 s21, $0x176;
	s19 =	sadd.s32 $0x9DBA, s23;
	vm1 =	vgt.f32 v18, v10;
	vm2 =	vgt.f32 v19, v15;
	v0 =	vld [tilespmem:s22+$0x50]  }
.Ltmp1:
0x54: {  	v10 =	vsel vm1, v18, v10;
	v15 =	vsel vm2, v19, v15;
	v16 =	vsel vm2, s19, v16;
	v9 =	vld [tilespmem:s22+$0xFFFFFFD0];
	(pc) =	sbr.rel @p0 .LBB2_4-.Ltmp1, $4  }
0x55: {  	s20 =	sadd.s32 $0x9DBB, s23;
	v8 =	vsel vm1, s19, v8;
	vm0 =	vgt.f32 v25, v10;
	v18 =	vld [tilespmem:s22+$0xFFFFFFE0];
	vm1 =	vgt.f32 v26, v15  }
0x56: {  	v10 =	vsel vm0, v25, v10;
	v19 =	vld [tilespmem:s22+$0xFFFFFFF0];
	v15 =	vsel vm1, v26, v15;
	v16 =	vsel vm1, s20, v16  }
0x57: {  	vm1 =	vgt.f32 v21, v22;
	vm2 =	vgt.f32 v27, v23;
	vm3 =	vgt.f32 v28, v24;
	v20 =	vld [tilespmem:s22+$0x60]  }
0x58: {  	v22 =	vsel vm1, v21, v22;
	v23 =	vsel vm2, v27, v23;
	v24 =	vsel vm3, v28, v24;
	v21 =	vld [tilespmem:s22+$0x70];
	s22 =	sadd.s32 $0x100, s22  }
0x59: {  	[tilespmem:s12], [sflag:$0x2] =	stream.linear.gather [hbm4b:s6+s2], $0xBC00, $0x38;
	[tilespmem:$0x17900] =	vst v63  }
0x5a: {  	_ =	swait.ge [sflag:s13], $0xBC00  }
0x5b: {  	[sflag:s13] =	ssyncset.done $0x0  }
0x5c: {  	s22 =	simm.s32 $0x80;
	[sflag:s13] =	ssyncadd.s32 $0xFFFF4400  }
0x5d: {  	vm4 =	vgt.f32 v7, v22;
	vm5 =	vgt.f32 v11, v23;
	vm6 =	vgt.f32 v17, v24;
	v25 =	vld [tilespmem:s22+$0x0]  }
0x5e: {  	vm7 =	vgt.f32 v9, v12;
	v22 =	vsel vm4, v7, v22;
	v24 =	vsel vm6, v17, v24;
	v17 =	vld [tilespmem:s22+$0x10]  }
0x5f: {  	v23 =	vsel vm5, v11, v23;
	vm8 =	vgt.f32 v18, v13;
	v11 =	vsel vm7, v9, v12;
	v7 =	vld [tilespmem:s22+$0x20]  }
0x60: {  	vm9 =	vgt.f32 v19, v14;
	v12 =	vsel vm8, v18, v13;
	vm10 =	vgt.f32 v0, v11;
	v18 =	vld [tilespmem:s22+$0xFFFFFF80]  }
0x61: {  	v13 =	vsel vm9, v19, v14;
	vm11 =	vgt.f32 v20, v12;
	v11 =	vsel vm10, v0, v11;
	v19 =	vld [tilespmem:s22+$0xFFFFFF90]  }
0x62: {  	v0 =	vsel vm7, s19, v1;
	v1 =	vsel vm8, s19, v2;
	v2 =	vsel vm9, s19, v3;
	v26 =	vld [tilespmem:s22+$0xFFFFFFB0]  }
0x63: {  	v3 =	vsel vm1, s19, v4;
	v4 =	vsel vm2, s19, v5;
	v5 =	vsel vm3, s19, v6;
	v27 =	vld [tilespmem:s22+$0xFFFFFFC0]  }
0x64: {  	v9 =	vld [tilespmem:s22+$0x30];
	vm12 =	vgt.f32 v21, v13;
	v12 =	vsel vm11, v20, v12;
	v0 =	vsel vm10, s20, v0  }
0x65: {  	v14 =	vld [tilespmem:s22+$0x40];
	v1 =	vsel vm11, s20, v1;
	v3 =	vsel vm4, s20, v3;
	v4 =	vsel vm5, s20, v4  }
0x66: {  	v5 =	vsel vm6, s20, v5;
	v20 =	vsel vm0, s20, v8;
	v13 =	vsel vm12, v21, v13;
	v21 =	vld [tilespmem:s22+$0xFFFFFFA0]  }
0x67: {  	s21 =	sadd.s32 $0xFFFFFFFE, s11;
	v6 =	vld [tilespmem:s22+$0x50];
	v2 =	vsel vm12, s20, v2;
	vm0 =	vgt.f32 v18, v10;
	vm1 =	vgt.f32 v19, v15  }
0x68: {  	s19 =	sadd.s32 $0x9F32, s21;
	v8 =	vld [tilespmem:s22+$0xFFFFFFD0];
	vm2 =	vgt.f32 v26, v23;
	vm3 =	vgt.f32 v27, v24;
	v18 =	vsel vm0, v18, v10  }
0x69: {  	v28 =	vsel vm1, v19, v15;
	v10 =	vsel vm0, s19, v20;
	v15 =	vld [tilespmem:s22+$0xFFFFFFE0];
	vm0 =	vgt.f32 v25, v18  }
0x6a: {  	s20 =	sadd.s32 $0x9F33, s21;
	v29 =	vsel vm1, s19, v16;
	v19 =	vld [tilespmem:s22+$0xFFFFFFF0];
	vm1 =	vgt.f32 v17, v28;
	v16 =	vsel vm0, v25, v18  }
0x6b: {  	v20 =	vld [tilespmem:s22+$0x60];
	v17 =	vsel vm1, v17, v28;
	v18 =	vsel vm1, s20, v29;
	vm1 =	vgt.f32 v21, v22  }
0x6c: {  	s21 =	simm.s32 $0x0;
	v23 =	vsel vm2, v26, v23;
	v24 =	vsel vm3, v27, v24;
	v22 =	vsel vm1, v21, v22;
	v21 =	vld [tilespmem:s22+$0x70];
	s22 =	simm.s32 $0x180  }
.LBB2_6:
0x6d: {  	v25 =	vld [tilespmem:s22+$0x0];
	vm4 =	vgt.f32 v7, v22;
	vm5 =	vgt.f32 v9, v23;
	vm6 =	vgt.f32 v14, v24  }
0x6e: {  	v26 =	vld [tilespmem:s22+$0x10];
	v22 =	vsel vm4, v7, v22;
	v23 =	vsel vm5, v9, v23;
	v24 =	vsel vm6, v14, v24  }
0x6f: {  	vm7 =	vgt.f32 v8, v11;
	vm8 =	vgt.f32 v15, v12;
	v7 =	vld [tilespmem:s22+$0x20];
	vm9 =	vgt.f32 v19, v13  }
0x70: {  	v8 =	vsel vm7, v8, v11;
	v12 =	vsel vm8, v15, v12;
	v9 =	vld [tilespmem:s22+$0x30];
	v13 =	vsel vm9, v19, v13  }
0x71: {  	vm10 =	vgt.f32 v6, v8;
	vm11 =	vgt.f32 v20, v12;
	v15 =	vld [tilespmem:s22+$0xFFFFFF80];
	vm12 =	vgt.f32 v21, v13  }
0x72: {  	v11 =	vsel vm10, v6, v8;
	v12 =	vsel vm11, v20, v12;
	v19 =	vld [tilespmem:s22+$0xFFFFFF90];
	v13 =	vsel vm12, v21, v13  }
0x73: {  	v0 =	vsel vm7, s19, v0;
	v1 =	vsel vm8, s19, v1;
	v2 =	vsel vm9, s19, v2;
	v14 =	vld [tilespmem:s22+$0x40]  }
0x74: {  	v0 =	vsel vm10, s20, v0;
	v1 =	vsel vm11, s20, v1;
	v2 =	vsel vm12, s20, v2;
	v21 =	vld [tilespmem:s22+$0xFFFFFFA0]  }
0x75: {  	v3 =	vsel vm1, s19, v3;
	v4 =	vsel vm2, s19, v4;
	v5 =	vsel vm3, s19, v5;
	v27 =	vld [tilespmem:s22+$0xFFFFFFB0]  }
0x76: {  	s23 =	sadd.s32 s21, s11;
	s21 =	sadd.s32 $0x2, s21;
	v3 =	vsel vm4, s20, v3;
	v4 =	vsel vm5, s20, v4;
	v5 =	vsel vm6, s20, v5;
	v28 =	vld [tilespmem:s22+$0xFFFFFFC0]  }
0x77: {  	v10 =	vsel vm0, s20, v10;
	p0 =	slt.u32 s21, $0x176;
	s19 =	sadd.s32 $0x9F32, s23;
	vm1 =	vgt.f32 v15, v16;
	vm2 =	vgt.f32 v19, v17;
	v6 =	vld [tilespmem:s22+$0x50]  }
.Ltmp2:
0x78: {  	v16 =	vsel vm1, v15, v16;
	v17 =	vsel vm2, v19, v17;
	v18 =	vsel vm2, s19, v18;
	v8 =	vld [tilespmem:s22+$0xFFFFFFD0];
	(pc) =	sbr.rel @p0 .LBB2_6-.Ltmp2, $4  }
0x79: {  	s20 =	sadd.s32 $0x9F33, s23;
	v10 =	vsel vm1, s19, v10;
	vm0 =	vgt.f32 v25, v16;
	v15 =	vld [tilespmem:s22+$0xFFFFFFE0];
	vm1 =	vgt.f32 v26, v17  }
0x7a: {  	v16 =	vsel vm0, v25, v16;
	v19 =	vld [tilespmem:s22+$0xFFFFFFF0];
	v17 =	vsel vm1, v26, v17;
	v18 =	vsel vm1, s20, v18  }
0x7b: {  	vm1 =	vgt.f32 v21, v22;
	vm2 =	vgt.f32 v27, v23;
	vm3 =	vgt.f32 v28, v24;
	v20 =	vld [tilespmem:s22+$0x60]  }
0x7c: {  	v22 =	vsel vm1, v21, v22;
	v23 =	vsel vm2, v27, v23;
	v24 =	vsel vm3, v28, v24;
	v21 =	vld [tilespmem:s22+$0x70];
	s22 =	sadd.s32 $0x100, s22  }
0x7d: {  	[tilespmem:s2], [sflag:$0x1] =	stream.linear.gather [hbm4b:s7+s2], $0xBC00, $0x38;
	[tilespmem:$0x17900] =	vst v63  }
0x7e: {  	_ =	swait.ge [sflag:s14], $0xBC00  }
0x7f: {  	[sflag:s14] =	ssyncset.done $0x0  }
0x80: {  	s22 =	simm.s32 $0xBC80;
	[sflag:s14] =	ssyncadd.s32 $0xFFFF4400  }
0x81: {  	vm4 =	vgt.f32 v7, v22;
	vm5 =	vgt.f32 v9, v23;
	vm6 =	vgt.f32 v14, v24;
	v25 =	vld [tilespmem:s22+$0x0]  }
0x82: {  	vm7 =	vgt.f32 v8, v11;
	v3 =	vsel vm1, s19, v3;
	v4 =	vsel vm2, s19, v4;
	v26 =	vld [tilespmem:s22+$0x10]  }
0x83: {  	v10 =	vsel vm0, s20, v10;
	v23 =	vsel vm5, v9, v23;
	vm9 =	vgt.f32 v19, v13;
	v9 =	vld [tilespmem:s22+$0x20]  }
0x84: {  	v22 =	vsel vm4, v7, v22;
	v7 =	vsel vm7, v8, v11;
	v11 =	vsel vm9, v19, v13;
	v19 =	vld [tilespmem:s22+$0xFFFFFF80]  }
0x85: {  	v24 =	vsel vm6, v14, v24;
	vm8 =	vgt.f32 v15, v12;
	v0 =	vsel vm7, s19, v0;
	v27 =	vld [tilespmem:s22+$0xFFFFFFB0]  }
0x86: {  	v8 =	vsel vm8, v15, v12;
	vm10 =	vgt.f32 v6, v7;
	vm12 =	vgt.f32 v21, v11;
	v28 =	vld [tilespmem:s22+$0xFFFFFFC0]  }
0x87: {  	vm11 =	vgt.f32 v20, v8;
	v13 =	vsel vm10, v6, v7;
	v15 =	vsel vm12, v21, v11;
	v11 =	vld [tilespmem:s22+$0xFFFFFF90]  }
0x88: {  	v6 =	vsel vm8, s19, v1;
	v7 =	vsel vm9, s19, v2;
	v0 =	vsel vm10, s20, v0;
	v12 =	vld [tilespmem:s22+$0x30]  }
0x89: {  	v14 =	vsel vm11, v20, v8;
	v1 =	vld [tilespmem:s22+$0x40];
	v2 =	vsel vm11, s20, v6;
	v8 =	vsel vm3, s19, v5  }
0x8a: {  	v5 =	vsel vm4, s20, v3;
	v6 =	vsel vm12, s20, v7;
	v21 =	vld [tilespmem:s22+$0xFFFFFFA0];
	v7 =	vsel vm5, s20, v4  }
0x8b: {  	s21 =	sadd.s32 $0xFFFFFFFE, s11;
	v3 =	vld [tilespmem:s22+$0x50];
	v8 =	vsel vm6, s20, v8;
	vm0 =	vgt.f32 v19, v16;
	vm2 =	vgt.f32 v27, v23  }
0x8c: {  	s19 =	sadd.s32 $0xA0AA, s21;
	v4 =	vld [tilespmem:s22+$0xFFFFFFD0];
	vm3 =	vgt.f32 v28, v24;
	vm1 =	vgt.f32 v11, v17;
	v16 =	vsel vm0, v19, v16  }
0x8d: {  	v19 =	vld [tilespmem:s22+$0xFFFFFFF0];
	v23 =	vsel vm2, v27, v23;
	v17 =	vsel vm1, v11, v17;
	v18 =	vsel vm1, s19, v18  }
0x8e: {  	s20 =	sadd.s32 $0xA0AB, s21;
	v11 =	vsel vm0, s19, v10;
	v10 =	vld [tilespmem:s22+$0xFFFFFFE0];
	vm0 =	vgt.f32 v25, v16;
	vm1 =	vgt.f32 v26, v17  }
0x8f: {  	v20 =	vld [tilespmem:s22+$0x60];
	v17 =	vsel vm1, v26, v17;
	v18 =	vsel vm1, s20, v18;
	vm1 =	vgt.f32 v21, v22  }
0x90: {  	s21 =	simm.s32 $0x0;
	v24 =	vsel vm3, v28, v24;
	v16 =	vsel vm0, v25, v16;
	v22 =	vsel vm1, v21, v22;
	v21 =	vld [tilespmem:s22+$0x70];
	s22 =	simm.s32 $0xBD80  }
.LBB2_8:
0x91: {  	v25 =	vld [tilespmem:s22+$0x0];
	vm4 =	vgt.f32 v9, v22;
	vm5 =	vgt.f32 v12, v23;
	vm6 =	vgt.f32 v1, v24  }
0x92: {  	v26 =	vld [tilespmem:s22+$0x10];
	v22 =	vsel vm4, v9, v22;
	v23 =	vsel vm5, v12, v23;
	v24 =	vsel vm6, v1, v24  }
0x93: {  	vm7 =	vgt.f32 v4, v13;
	vm8 =	vgt.f32 v10, v14;
	v9 =	vld [tilespmem:s22+$0x20];
	vm9 =	vgt.f32 v19, v15  }
0x94: {  	v1 =	vsel vm7, v4, v13;
	v4 =	vsel vm8, v10, v14;
	v12 =	vld [tilespmem:s22+$0x30];
	v10 =	vsel vm9, v19, v15  }
0x95: {  	vm10 =	vgt.f32 v3, v1;
	vm11 =	vgt.f32 v20, v4;
	v19 =	vld [tilespmem:s22+$0xFFFFFF80];
	vm12 =	vgt.f32 v21, v10  }
0x96: {  	v13 =	vsel vm10, v3, v1;
	v14 =	vsel vm11, v20, v4;
	v27 =	vld [tilespmem:s22+$0xFFFFFF90];
	v15 =	vsel vm12, v21, v10  }
0x97: {  	v0 =	vsel vm7, s19, v0;
	v2 =	vsel vm8, s19, v2;
	v3 =	vsel vm9, s19, v6;
	v1 =	vld [tilespmem:s22+$0x40]  }
0x98: {  	v0 =	vsel vm10, s20, v0;
	v2 =	vsel vm11, s20, v2;
	v6 =	vsel vm12, s20, v3;
	v21 =	vld [tilespmem:s22+$0xFFFFFFA0]  }
0x99: {  	v8 =	vsel vm3, s19, v8;
	v4 =	vsel vm2, s19, v7;
	v3 =	vsel vm1, s19, v5;
	v28 =	vld [tilespmem:s22+$0xFFFFFFB0]  }
0x9a: {  	s23 =	sadd.s32 s21, s11;
	s21 =	sadd.s32 $0x2, s21;
	v8 =	vsel vm6, s20, v8;
	v7 =	vsel vm5, s20, v4;
	v5 =	vsel vm4, s20, v3;
	v29 =	vld [tilespmem:s22+$0xFFFFFFC0]  }
0x9b: {  	p0 =	slt.u32 s21, $0x176;
	s19 =	sadd.s32 $0xA0AA, s23;
	v10 =	vsel vm0, s20, v11;
	vm1 =	vgt.f32 v19, v16;
	vm2 =	vgt.f32 v27, v17;
	v3 =	vld [tilespmem:s22+$0x50]  }
.Ltmp3:
0x9c: {  	v16 =	vsel vm1, v19, v16;
	v17 =	vsel vm2, v27, v17;
	v18 =	vsel vm2, s19, v18;
	v4 =	vld [tilespmem:s22+$0xFFFFFFD0];
	(pc) =	sbr.rel @p0 .LBB2_8-.Ltmp3, $4  }
0x9d: {  	s20 =	sadd.s32 $0xA0AB, s23;
	v11 =	vsel vm1, s19, v10;
	vm0 =	vgt.f32 v25, v16;
	v10 =	vld [tilespmem:s22+$0xFFFFFFE0];
	vm1 =	vgt.f32 v26, v17  }
0x9e: {  	v16 =	vsel vm0, v25, v16;
	v19 =	vld [tilespmem:s22+$0xFFFFFFF0];
	v17 =	vsel vm1, v26, v17;
	v18 =	vsel vm1, s20, v18  }
0x9f: {  	vm1 =	vgt.f32 v21, v22;
	vm2 =	vgt.f32 v28, v23;
	vm3 =	vgt.f32 v29, v24;
	v20 =	vld [tilespmem:s22+$0x60]  }
0xa0: {  	v22 =	vsel vm1, v21, v22;
	v23 =	vsel vm2, v28, v23;
	v24 =	vsel vm3, v29, v24;
	v21 =	vld [tilespmem:s22+$0x70];
	s22 =	sadd.s32 $0x100, s22  }
0xa1: {  	_ =	swait.ge [sflag:s13], $0xBC00  }
0xa2: {  	[sflag:s13] =	ssyncset.done $0x0  }
0xa3: {  	s22 =	simm.s32 $0x80;
	[sflag:s13] =	ssyncadd.s32 $0xFFFF4400  }
0xa4: {  	vm4 =	vgt.f32 v9, v22;
	vm5 =	vgt.f32 v12, v23;
	vm6 =	vgt.f32 v1, v24;
	v25 =	vld [tilespmem:s22+$0x0]  }
0xa5: {  	vm7 =	vgt.f32 v4, v13;
	v5 =	vsel vm1, s19, v5;
	v26 =	vsel vm6, v1, v24;
	v24 =	vld [tilespmem:s22+$0x10]  }
0xa6: {  	v22 =	vsel vm4, v9, v22;
	vm8 =	vgt.f32 v10, v14;
	vm9 =	vgt.f32 v19, v15;
	v9 =	vld [tilespmem:s22+$0x20]  }
0xa7: {  	v1 =	vsel vm7, v4, v13;
	v4 =	vsel vm8, v10, v14;
	v13 =	vsel vm9, v19, v15;
	v14 =	vld [tilespmem:s22+$0xFFFFFF80]  }
0xa8: {  	v7 =	vsel vm2, s19, v7;
	vm10 =	vgt.f32 v3, v1;
	v27 =	vld [tilespmem:s22+$0xFFFFFFB0];
	vm12 =	vgt.f32 v21, v13  }
0xa9: {  	v23 =	vsel vm5, v12, v23;
	v10 =	vsel vm10, v3, v1;
	v1 =	vsel vm12, v21, v13;
	v13 =	vld [tilespmem:s22+$0xFFFFFF90]  }
0xaa: {  	v0 =	vsel vm7, s19, v0;
	v7 =	vsel vm5, s20, v7;
	vm11 =	vgt.f32 v20, v4;
	v21 =	vld [tilespmem:s22+$0xFFFFFFA0]  }
0xab: {  	v2 =	vsel vm8, s19, v2;
	v12 =	vld [tilespmem:s22+$0x30];
	v15 =	vsel vm9, s19, v6;
	v3 =	vsel vm11, v20, v4  }
0xac: {  	v6 =	vld [tilespmem:s22+$0x40];
	v4 =	vsel vm10, s20, v0;
	v0 =	vsel vm12, s20, v15;
	v15 =	vsel vm3, s19, v8  }
0xad: {  	v28 =	vld [tilespmem:s22+$0xFFFFFFC0];
	v2 =	vsel vm11, s20, v2;
	v8 =	vsel vm4, s20, v5;
	v5 =	vsel vm6, s20, v15  }
0xae: {  	s21 =	sadd.s32 $0xFFFFFFFE, s11;
	v19 =	vld [tilespmem:s22+$0xFFFFFFD0];
	v15 =	vsel vm0, s20, v11;
	vm0 =	vgt.f32 v14, v16;
	vm2 =	vgt.f32 v27, v23  }
0xaf: {  	s19 =	sadd.s32 $0xA222, s21;
	v11 =	vld [tilespmem:s22+$0x50];
	v14 =	vsel vm0, v14, v16;
	vm1 =	vgt.f32 v13, v17;
	vm3 =	vgt.f32 v21, v22  }
0xb0: {  	v20 =	vsel vm1, v13, v17;
	v13 =	vsel vm0, s19, v15;
	v17 =	vld [tilespmem:s22+$0xFFFFFFE0];
	vm0 =	vgt.f32 v25, v14  }
0xb1: {  	s20 =	sadd.s32 $0xA223, s21;
	v29 =	vsel vm1, s19, v18;
	v18 =	vld [tilespmem:s22+$0xFFFFFFF0];
	vm1 =	vgt.f32 v24, v20;
	v16 =	vsel vm0, v25, v14  }
0xb2: {  	v15 =	vsel vm1, v24, v20;
	v14 =	vsel vm1, s20, v29;
	vm1 =	vgt.f32 v28, v26;
	v20 =	vld [tilespmem:s22+$0x60]  }
0xb3: {  	s21 =	simm.s32 $0x0;
	v23 =	vsel vm2, v27, v23;
	v24 =	vsel vm3, v21, v22;
	v21 =	vld [tilespmem:s22+$0x70];
	s22 =	simm.s32 $0x180;
	v22 =	vsel vm1, v28, v26  }
.LBB2_10:
0xb4: {  	v25 =	vld [tilespmem:s22+$0x0];
	vm4 =	vgt.f32 v9, v24;
	vm5 =	vgt.f32 v12, v23;
	vm6 =	vgt.f32 v6, v22  }
0xb5: {  	v26 =	vld [tilespmem:s22+$0x10];
	v24 =	vsel vm4, v9, v24;
	v23 =	vsel vm5, v12, v23;
	v22 =	vsel vm6, v6, v22  }
0xb6: {  	vm7 =	vgt.f32 v19, v10;
	vm8 =	vgt.f32 v17, v3;
	v9 =	vld [tilespmem:s22+$0x20];
	vm9 =	vgt.f32 v18, v1  }
0xb7: {  	v6 =	vsel vm7, v19, v10;
	v3 =	vsel vm8, v17, v3;
	v12 =	vld [tilespmem:s22+$0x30];
	v1 =	vsel vm9, v18, v1  }
0xb8: {  	vm10 =	vgt.f32 v11, v6;
	vm11 =	vgt.f32 v20, v3;
	v17 =	vld [tilespmem:s22+$0xFFFFFF80];
	vm12 =	vgt.f32 v21, v1  }
0xb9: {  	v10 =	vsel vm10, v11, v6;
	v3 =	vsel vm11, v20, v3;
	v18 =	vld [tilespmem:s22+$0xFFFFFF90];
	v1 =	vsel vm12, v21, v1  }
0xba: {  	v4 =	vsel vm7, s19, v4;
	v2 =	vsel vm8, s19, v2;
	v0 =	vsel vm9, s19, v0;
	v6 =	vld [tilespmem:s22+$0x40]  }
0xbb: {  	v4 =	vsel vm10, s20, v4;
	v2 =	vsel vm11, s20, v2;
	v0 =	vsel vm12, s20, v0;
	v21 =	vld [tilespmem:s22+$0xFFFFFFA0]  }
0xbc: {  	v8 =	vsel vm3, s19, v8;
	v7 =	vsel vm2, s19, v7;
	v5 =	vsel vm1, s19, v5;
	v27 =	vld [tilespmem:s22+$0xFFFFFFB0]  }
0xbd: {  	s23 =	sadd.s32 s21, s11;
	s21 =	sadd.s32 $0x2, s21;
	v8 =	vsel vm4, s20, v8;
	v7 =	vsel vm5, s20, v7;
	v5 =	vsel vm6, s20, v5;
	v28 =	vld [tilespmem:s22+$0xFFFFFFC0]  }
0xbe: {  	v13 =	vsel vm0, s20, v13;
	p0 =	slt.u32 s21, $0x176;
	s19 =	sadd.s32 $0xA222, s23;
	vm1 =	vgt.f32 v17, v16;
	vm2 =	vgt.f32 v18, v15;
	v11 =	vld [tilespmem:s22+$0x50]  }
.Ltmp4:
0xbf: {  	v16 =	vsel vm1, v17, v16;
	v15 =	vsel vm2, v18, v15;
	v14 =	vsel vm2, s19, v14;
	v19 =	vld [tilespmem:s22+$0xFFFFFFD0];
	(pc) =	sbr.rel @p0 .LBB2_10-.Ltmp4, $4  }
0xc0: {  	s20 =	sadd.s32 $0xA223, s23;
	v13 =	vsel vm1, s19, v13;
	vm0 =	vgt.f32 v25, v16;
	v17 =	vld [tilespmem:s22+$0xFFFFFFE0];
	vm1 =	vgt.f32 v26, v15  }
0xc1: {  	v16 =	vsel vm0, v25, v16;
	v18 =	vld [tilespmem:s22+$0xFFFFFFF0];
	v15 =	vsel vm1, v26, v15;
	v14 =	vsel vm1, s20, v14  }
0xc2: {  	vm3 =	vgt.f32 v21, v24;
	vm2 =	vgt.f32 v27, v23;
	vm1 =	vgt.f32 v28, v22;
	v20 =	vld [tilespmem:s22+$0x60]  }
0xc3: {  	v24 =	vsel vm3, v21, v24;
	v23 =	vsel vm2, v27, v23;
	v22 =	vsel vm1, v28, v22;
	v21 =	vld [tilespmem:s22+$0x70];
	s22 =	sadd.s32 $0x100, s22  }
0xc4: {  	[tilespmem:$0x17800] =	vst v16  }
0xc5: {  	[tilespmem:$0x17810] =	vst v15  }
0xc6: {  	v13 =	vsel vm0, s20, v13;
	vm7 =	vgt.f32 v9, v24;
	[tilespmem:$0x17890] =	vst v14  }
0xc7: {  	v8 =	vsel vm3, s19, v8;
	[tilespmem:$0x17880] =	vst v13;
	v9 =	vsel vm7, v9, v24  }
0xc8: {  	vm8 =	vgt.f32 v12, v23;
	v8 =	vsel vm7, s20, v8;
	[tilespmem:$0x17820] =	vst v9  }
0xc9: {  	v7 =	vsel vm2, s19, v7;
	v61 =	vsel vm8, v12, v23;
	[tilespmem:$0x178A0] =	vst v8  }
0xca: {  	vm9 =	vgt.f32 v6, v22;
	vm10 =	vgt.f32 v19, v10;
	v7 =	vsel vm8, s20, v7;
	[tilespmem:$0x17830] =	vst v61  }
0xcb: {  	v5 =	vsel vm1, s19, v5;
	v6 =	vsel vm9, v6, v22;
	v62 =	vsel vm10, v19, v10;
	[tilespmem:$0x178B0] =	vst v7  }
0xcc: {  	vm11 =	vgt.f32 v17, v3;
	v5 =	vsel vm9, s20, v5;
	vm12 =	vgt.f32 v11, v62;
	[tilespmem:$0x17840] =	vst v6  }
0xcd: {  	v4 =	vsel vm10, s19, v4;
	v3 =	vsel vm11, v17, v3;
	[tilespmem:$0x178C0] =	vst v5;
	v63 =	vsel vm12, v11, v62  }
0xce: {  	vm13 =	vgt.f32 v18, v1;
	vm14 =	vgt.f32 v20, v3;
	v4 =	vsel vm12, s20, v4;
	[tilespmem:$0x17850] =	vst v63  }
0xcf: {  	v2 =	vsel vm11, s19, v2;
	v1 =	vsel vm13, v18, v1;
	v3 =	vsel vm14, v20, v3;
	[tilespmem:$0x178D0] =	vst v4  }
0xd0: {  	vm15 =	vgt.f32 v21, v1;
	v2 =	vsel vm14, s20, v2;
	[tilespmem:$0x17860] =	vst v3  }
0xd1: {  	v0 =	vsel vm13, s19, v0;
	v1 =	vsel vm15, v21, v1;
	[tilespmem:$0x178E0] =	vst v2  }
0xd2: {  	v0 =	vsel vm15, s20, v0;
	[tilespmem:$0x17870] =	vst v1  }
0xd3: {  	[tilespmem:$0x178F0] =	vst v0  }
0xd4: {  	[hbm4b:s8+s2] =	stream.linear.scatter [tilespmem:s15], [sflag:$0x3], $0x80, $0x38;
	[tilespmem:$0x17900] =	vst v63  }
0xd5: {  	s18 =	sadd.s32 $0x1, s18;
	_ =	swait.ge [sflag:s16], $0x80  }
0xd6: {  	p0 =	sne.s32 s18, s10;
	[sflag:s16] =	ssyncset.done $0x0  }
.Ltmp5:
0xd7: {  	[sflag:s16] =	ssyncadd.s32 $0xFFFFFF80;
	(pc) =	sbr.rel @p0 .LBB2_1-.Ltmp5, $4  }
0xd8: {  	[hbm4b:s9+s2] =	stream.linear.scatter [tilespmem:s17], [sflag:$0x3], $0x80, $0x38;
	[tilespmem:$0x17900] =	vst v63  }
0xd9: {  	_ =	swait.ge [sflag:s16], $0x80  }
0xda: {  	[sflag:s16] =	ssyncset.done $0x0  }
0xdb: {  	[sflag:s16] =	ssyncadd.s32 $0xFFFFFF80  }
0xdc: {  	_ =	sfence.sel $0x180000  }
0xdd: {  	[bflag:$0x0] =	sbarrier.arrive $0xFFFF  }
0xde: {  	p0 =	sne.s32 s0, $0x0;
	_ =	strace $0x90000047  }
0xdf: {  	s0 =	sadd.s32 @!p0 $0x100000, s1;
	[bflag:$0x2] =	sbarrier.arrive $0xFFFF  }
0xe0: {  	[sflag:s0] =	ssyncadd.tile.s32 @!p0 $0x1;
	_ =	shalt  }
.Lfunc_end2:
_tile_overlayer_lowered:
.L_overlay_start_2:
0xe1: {  	(tag) =	ssettag $0x2  }
0xe2: {  	s0 =	rddreg [dreg:$0x0];
	s2 =	stileid.u32  }
0xe3: {  	s1 =	rddreg [dreg:$0x1];
	p0 =	sne.s32 s2, $0x0  }
0xe4: {  	s3 =	rddreg [dreg:$0x2];
	[bflag:$0x3] =	sbarrier.arrive $0xFFFF;
	s2 =	simm.s32 @!p0 $0x1C03  }
0xe5: {  	[timem:s3], [sflag:s2] =	dma.local @!p0 [hbm:s0], s1  }
0xe6: {  	s0 =	simm.s32 @!p0 $0x3  }
0xe7: {  	_ =	swait.ge @!p0 [sflag:s0], s1  }
0xe8: {  	s1 =	ssub.s32 @!p0 $0x0, s1;
	[sflag:s0] =	ssyncset.done @!p0 $0x0  }
0xe9: {  	[sflag:s0] =	ssyncadd.s32 @!p0 s1  }
0xea: {  	[bflag:$0x3] =	sbarrier.arrive $0xFFFF  }
0xeb: {  	_ =	shalt  }

</sc_bundles>
